<compile_context>
chip_gen: v7x
topology: tpu7x:2x2x1
jax: 0.10.2.dev20260603
libtpu: 0.0.44.dev20260713+nightly
codegen_flags: <defaults>
</compile_context>

<pallas_src>
import functools

import jax
import jax.numpy as jnp
from jax import lax
from jax.experimental import pallas as pl
from jax.experimental.pallas import tpu as pltpu
from jax.experimental.pallas import tpu_sc as plsc


def _sc_relpos_copy(pe, n, off):
    V, D = pe.shape
    info = plsc.get_sparse_core_info()
    NC, NS = info.num_cores, info.num_subcores
    NW = NC * NS
    assert n % NW == 0
    rows_per_w = n // NW

    C = 256
    GROUP = 16
    PAD = 8 * (GROUP - 1)
    DS = 6
    D2 = D // DS
    NBUF = 2
    NCH = (n // C) * DS
    NGRP = rows_per_w // GROUP
    K = NGRP * NCH
    assert K % NBUF == 0

    lo = ((off - n + 1) // 8) * 8 - PAD
    P = jnp.stack(
        [lax.dynamic_slice_in_dim(pe, lo + d, 2 * n + PAD) for d in range(8)]
    )

    mesh = plsc.VectorSubcoreMesh(core_axis_name="c", subcore_axis_name="s")

    @functools.partial(
        pl.kernel,
        out_type=jax.ShapeDtypeStruct((n, n, D), jnp.float32),
        mesh=mesh,
        scratch_types=(
            [pltpu.VMEM((C + PAD, D2), jnp.float32)] * NBUF
            + [pltpu.SemaphoreType.DMA] * (2 * NBUF)
        ),
    )
    def k(p_hbm, out_hbm, *scratch):
        bufs = scratch[:NBUF]
        slds = scratch[NBUF:2 * NBUF]
        ssts = scratch[2 * NBUF:]
        wid = lax.axis_index("s") * NC + lax.axis_index("c")
        wpb = 8 * GROUP // rows_per_w
        blk = lax.div(wid, wpb) * (8 * GROUP)
        r0 = lax.rem(wid, wpb) * NGRP

        def plan(step):
            grp = lax.div(step, NCH)
            rem = lax.rem(step, NCH)
            jc = lax.div(rem, DS) * C
            h = lax.rem(rem, DS) * D2
            i = blk + r0 + grp
            s = off - i
            d = lax.rem(s, 8)
            a = pl.multiple_of(s - d - lo + jc - PAD, 8)
            hh = pl.multiple_of(h, 128)
            src = p_hbm.at[d, pl.ds(a, C + PAD), pl.ds(hh, D2)]
            dsts = [
                out_hbm.at[i + 8 * kk, pl.ds(jc, C), pl.ds(hh, D2)]
                for kk in range(GROUP)
            ]
            return src, dsts

        def body(g, carry):
            for b in range(NBUF):
                step = NBUF * g + b
                src, dsts = plan(step)

                @pl.when(g >= 1)
                def _():
                    for _ in range(GROUP):
                        pltpu.make_async_copy(
                            src, bufs[b].at[pl.ds(0, C)], ssts[b]
                        ).wait()

                pltpu.async_copy(src, bufs[b], slds[b]).wait()
                for kk in range(GROUP):
                    pltpu.async_copy(
                        bufs[b].at[pl.ds(PAD - 8 * kk, C)], dsts[kk], ssts[b]
                    )
            return carry

        lax.fori_loop(0, K // NBUF, body, 0)
        src0, _ = plan(0)
        for b in range(NBUF):
            for _ in range(GROUP):
                pltpu.make_async_copy(
                    src0, bufs[b].at[pl.ds(0, C)], ssts[b]
                ).wait()

    return k(P)


def kernel(x, q_len, pe):
    n = x.shape[1]
    V = pe.shape[0]
    off = (V + 1) // 2 - 1
    return _sc_relpos_copy(pe, n, off)

# --- scband reference (transcript-rebuilt; emitter-appended) ---
"""Pipeline reference for scband-relative-position-35905926595076 (READ-ONLY COPY).

The authoritative reference and input builder live on the scoring server;
editing this copy changes nothing except your own understanding.
"""

import jax, jax.numpy as jnp
import numpy as np
import math

D_MODEL = 768
MAX_LEN = 2048

def _build_pe():
    pe = np.zeros((2 * MAX_LEN - 1, D_MODEL), dtype=np.float32)
    position = np.arange(-(MAX_LEN - 1), MAX_LEN, dtype=np.float32)[:, None]
    div_term = np.exp(np.arange(0, D_MODEL, 2, dtype=np.float32) * -(math.log(10000.0) / D_MODEL))
    pe[:, 0::2] = np.sin(position * div_term)
    pe[:, 1::2] = np.cos(position * div_term)
    return jnp.asarray(pe)

def setup_inputs(seed: int = 0) -> dict:
    key = jax.random.key(seed)
    x = jax.random.normal(key, (4, 512, D_MODEL), dtype=jnp.float32)
    return {"x": x, "q_len": 512, "pe": _build_pe()}

def reference(x, q_len, pe):
    # pos_idx[i, j] = j - i + (max_len - 1)
    n = x.shape[1]
    pos_idx = jnp.arange(n)[None, :] - jnp.arange(n)[:, None]
    pos_idx = pos_idx + (MAX_LEN - 1) + (q_len - q_len)
    # gather relative positional encodings: [q_len, q_len, d_model]
    return jnp.take(pe, pos_idx, axis=0)

if __name__ == "__main__":
    import jax
    _d = setup_inputs()
    print(jax.jit(kernel)(*tuple(_d.values())))

</pallas_src>

<mosaic_0001>
#map = affine_map<(d0, d1) -> (0, 0, 0)>
module attributes {stable_mosaic.version = 14 : i64} {
  func.func @k(%arg0: i32, %arg1: i32, %arg2: memref<8x1144x768xf32, #tpu.memory_space<hbm>>, %arg3: memref<512x512x768xf32, #tpu.memory_space<hbm>>, %arg4: memref<376x128xf32, #tpu.memory_space<vmem>>, %arg5: memref<376x128xf32, #tpu.memory_space<vmem>>, %arg6: memref<!tpu.dma_semaphore, #tpu.memory_space<semaphore_mem>>, %arg7: memref<!tpu.dma_semaphore, #tpu.memory_space<semaphore_mem>>, %arg8: memref<!tpu.dma_semaphore, #tpu.memory_space<semaphore_mem>>, %arg9: memref<!tpu.dma_semaphore, #tpu.memory_space<semaphore_mem>>) attributes {dimension_semantics = [#tpu.dimension_semantics<core_parallel>, #tpu.dimension_semantics<subcore_parallel>], iteration_bounds = array<i64: 2, 16>, scalar_prefetch = 0 : i64, scratch_operands = 6 : i64, tpu.core_type = #tpu.core_type<sc_vector_subcore>, window_params = [{transform_indices = #map}, {transform_indices = #map}]} {
    %mul3A = arith.constant 2 : i32
    %mul3A_0 = arith.muli %arg1, %mul3A : i32
    %add3A = arith.addi %mul3A_0, %arg0 : i32
    %div3A = arith.constant 8 : i32
    %div3A_1 = arith.divsi %add3A, %div3A : i32
    %mul3A_2 = arith.constant 128 : i32
    %mul3A_3 = arith.muli %div3A_1, %mul3A_2 : i32
    %rem3A = arith.constant 8 : i32
    %rem3A_4 = arith.remsi %add3A, %rem3A : i32
    %mul3A_5 = arith.constant 1 : i32
    %mul3A_6 = arith.muli %rem3A_4, %mul3A_5 : i32
    %scan3A = arith.constant 0 : i32
    %scan3A_7 = arith.constant 0 : i32
    %scan3A_8 = arith.constant 6 : i32
    %scan3A_9 = arith.addi %scan3A_7, %scan3A_8 : i32
    %scan3A_10 = arith.constant 1 : i32
    scf.for %scan3A_389 = %scan3A_7 to %scan3A_9 step %scan3A_10  : i32 {
      %mul3A_390 = arith.constant 2 : i32
      %mul3A_391 = arith.muli %mul3A_390, %scan3A_389 : i32
      %add3A_392 = arith.constant 0 : i32
      %add3A_393 = arith.addi %mul3A_391, %add3A_392 : i32
      %div3A_394 = arith.constant 12 : i32
      %div3A_395 = arith.divsi %add3A_393, %div3A_394 : i32
      %rem3A_396 = arith.constant 12 : i32
      %rem3A_397 = arith.remsi %add3A_393, %rem3A_396 : i32
      %div3A_398 = arith.constant 6 : i32
      %div3A_399 = arith.divsi %rem3A_397, %div3A_398 : i32
      %mul3A_400 = arith.constant 256 : i32
      %mul3A_401 = arith.muli %div3A_399, %mul3A_400 : i32
      %rem3A_402 = arith.constant 6 : i32
      %rem3A_403 = arith.remsi %rem3A_397, %rem3A_402 : i32
      %mul3A_404 = arith.constant 128 : i32
      %mul3A_405 = arith.muli %rem3A_403, %mul3A_404 : i32
      %add3A_406 = arith.addi %mul3A_3, %mul3A_6 : i32
      %add3A_407 = arith.addi %add3A_406, %div3A_395 : i32
      %sub3A_408 = arith.constant 2047 : i32
      %sub3A_409 = arith.subi %sub3A_408, %add3A_407 : i32
      %rem3A_410 = arith.constant 8 : i32
      %rem3A_411 = arith.remsi %sub3A_409, %rem3A_410 : i32
      %sub3A_412 = arith.subi %sub3A_409, %rem3A_411 : i32
      %sub3A_413 = arith.constant 1416 : i32
      %sub3A_414 = arith.subi %sub3A_412, %sub3A_413 : i32
      %add3A_415 = arith.addi %sub3A_414, %mul3A_401 : i32
      %sub3A_416 = arith.constant 120 : i32
      %sub3A_417 = arith.subi %add3A_415, %sub3A_416 : i32
      %multiple_of3A_418 = tpu.assume_multiple %sub3A_417, 8 : i32
      %multiple_of3A_419 = tpu.assume_multiple %mul3A_405, 128 : i32
      %add3A_420 = arith.constant 0 : i32
      %add3A_421 = arith.addi %add3A_407, %add3A_420 : i32
      %add3A_422 = arith.constant 8 : i32
      %add3A_423 = arith.addi %add3A_407, %add3A_422 : i32
      %add3A_424 = arith.constant 16 : i32
      %add3A_425 = arith.addi %add3A_407, %add3A_424 : i32
      %add3A_426 = arith.constant 24 : i32
      %add3A_427 = arith.addi %add3A_407, %add3A_426 : i32
      %add3A_428 = arith.constant 32 : i32
      %add3A_429 = arith.addi %add3A_407, %add3A_428 : i32
      %add3A_430 = arith.constant 40 : i32
      %add3A_431 = arith.addi %add3A_407, %add3A_430 : i32
      %add3A_432 = arith.constant 48 : i32
      %add3A_433 = arith.addi %add3A_407, %add3A_432 : i32
      %add3A_434 = arith.constant 56 : i32
      %add3A_435 = arith.addi %add3A_407, %add3A_434 : i32
      %add3A_436 = arith.constant 64 : i32
      %add3A_437 = arith.addi %add3A_407, %add3A_436 : i32
      %add3A_438 = arith.constant 72 : i32
      %add3A_439 = arith.addi %add3A_407, %add3A_438 : i32
      %add3A_440 = arith.constant 80 : i32
      %add3A_441 = arith.addi %add3A_407, %add3A_440 : i32
      %add3A_442 = arith.constant 88 : i32
      %add3A_443 = arith.addi %add3A_407, %add3A_442 : i32
      %add3A_444 = arith.constant 96 : i32
      %add3A_445 = arith.addi %add3A_407, %add3A_444 : i32
      %add3A_446 = arith.constant 104 : i32
      %add3A_447 = arith.addi %add3A_407, %add3A_446 : i32
      %add3A_448 = arith.constant 112 : i32
      %add3A_449 = arith.addi %add3A_407, %add3A_448 : i32
      %add3A_450 = arith.constant 120 : i32
      %add3A_451 = arith.addi %add3A_407, %add3A_450 : i32
      %ge3A = arith.constant 1 : i32
      %ge3A_452 = arith.cmpi sge, %scan3A_389, %ge3A : i32
      %convert_element_type3A = arith.extui %ge3A_452 : i1 to i32
      %cond3A = arith.constant 0 : i32
      %cond3A_453 = arith.cmpi ne, %convert_element_type3A, %cond3A : i32
      scf.if %cond3A_453 {
        %dma_wait3A_856 = arith.constant 0 : i32
        %dma_wait3A_857 = arith.constant 0 : i32
        %dma_wait3A_858 = tpu.memref_slice %arg4[%dma_wait3A_856, %dma_wait3A_857] : memref<376x128xf32, #tpu.memory_space<vmem>> -> memref<256x128xf32, #tpu.memory_space<vmem>>
        %dma_wait3A_859 = tpu.memref_slice %arg2[%rem3A_411, %multiple_of3A_418, %multiple_of3A_419] : memref<8x1144x768xf32, #tpu.memory_space<hbm>> -> memref<1x376x128xf32, #tpu.memory_space<hbm>>
        %dma_wait3A_860 = tpu.memref_squeeze %dma_wait3A_859 : memref<1x376x128xf32, #tpu.memory_space<hbm>> -> memref<376x128xf32, #tpu.memory_space<hbm>>
        %dma_wait3A_861 = arith.constant 0 : i32
        %dma_wait3A_862 = arith.constant 0 : i32
        %dma_wait3A_863 = tpu.memref_slice %arg4[%dma_wait3A_861, %dma_wait3A_862] : memref<376x128xf32, #tpu.memory_space<vmem>> -> memref<256x128xf32, #tpu.memory_space<vmem>>
        %dma_wait3A_864 = tpu.memref_slice %arg2[%rem3A_411, %multiple_of3A_418, %multiple_of3A_419] : memref<8x1144x768xf32, #tpu.memory_space<hbm>> -> memref<1x376x128xf32, #tpu.memory_space<hbm>>
        %dma_wait3A_865 = tpu.memref_squeeze %dma_wait3A_864 : memref<1x376x128xf32, #tpu.memory_space<hbm>> -> memref<376x128xf32, #tpu.memory_space<hbm>>
        tpu.wait_dma2 semaphore(%arg8 : memref<!tpu.dma_semaphore, #tpu.memory_space<semaphore_mem>>) src(%dma_wait3A_865 : memref<376x128xf32, #tpu.memory_space<hbm>>) dst(%dma_wait3A_863 : memref<256x128xf32, #tpu.memory_space<vmem>>)
        %dma_wait3A_866 = arith.constant 0 : i32
        %dma_wait3A_867 = arith.constant 0 : i32
        %dma_wait3A_868 = tpu.memref_slice %arg4[%dma_wait3A_866, %dma_wait3A_867] : memref<376x128xf32, #tpu.memory_space<vmem>> -> memref<256x128xf32, #tpu.memory_space<vmem>>
        %dma_wait3A_869 = tpu.memref_slice %arg2[%rem3A_411, %multiple_of3A_418, %multiple_of3A_419] : memref<8x1144x768xf32, #tpu.memory_space<hbm>> -> memref<1x376x128xf32, #tpu.memory_space<hbm>>
        %dma_wait3A_870 = tpu.memref_squeeze %dma_wait3A_869 : memref<1x376x128xf32, #tpu.memory_space<hbm>> -> memref<376x128xf32, #tpu.memory_space<hbm>>
        %dma_wait3A_871 = arith.constant 0 : i32
        %dma_wait3A_872 = arith.constant 0 : i32
        %dma_wait3A_873 = tpu.memref_slice %arg4[%dma_wait3A_871, %dma_wait3A_872] : memref<376x128xf32, #tpu.memory_space<vmem>> -> memref<256x128xf32, #tpu.memory_space<vmem>>
        %dma_wait3A_874 = tpu.memref_slice %arg2[%rem3A_411, %multiple_of3A_418, %multiple_of3A_419] : memref<8x1144x768xf32, #tpu.memory_space<hbm>> -> memref<1x376x128xf32, #tpu.memory_space<hbm>>
        %dma_wait3A_875 = tpu.memref_squeeze %dma_wait3A_874 : memref<1x376x128xf32, #tpu.memory_space<hbm>> -> memref<376x128xf32, #tpu.memory_space<hbm>>
        tpu.wait_dma2 semaphore(%arg8 : memref<!tpu.dma_semaphore, #tpu.memory_space<semaphore_mem>>) src(%dma_wait3A_875 : memref<376x128xf32, #tpu.memory_space<hbm>>) dst(%dma_wait3A_873 : memref<256x128xf32, #tpu.memory_space<vmem>>)
        %dma_wait3A_876 = arith.constant 0 : i32
        %dma_wait3A_877 = arith.constant 0 : i32
        %dma_wait3A_878 = tpu.memref_slice %arg4[%dma_wait3A_876, %dma_wait3A_877] : memref<376x128xf32, #tpu.memory_space<vmem>> -> memref<256x128xf32, #tpu.memory_space<vmem>>
        %dma_wait3A_879 = tpu.memref_slice %arg2[%rem3A_411, %multiple_of3A_418, %multiple_of3A_419] : memref<8x1144x768xf32, #tpu.memory_space<hbm>> -> memref<1x376x128xf32, #tpu.memory_space<hbm>>
        %dma_wait3A_880 = tpu.memref_squeeze %dma_wait3A_879 : memref<1x376x128xf32, #tpu.memory_space<hbm>> -> memref<376x128xf32, #tpu.memory_space<hbm>>
        %dma_wait3A_881 = arith.constant 0 : i32
        %dma_wait3A_882 = arith.constant 0 : i32
        %dma_wait3A_883 = tpu.memref_slice %arg4[%dma_wait3A_881, %dma_wait3A_882] : memref<376x128xf32, #tpu.memory_space<vmem>> -> memref<256x128xf32, #tpu.memory_space<vmem>>
        %dma_wait3A_884 = tpu.memref_slice %arg2[%rem3A_411, %multiple_of3A_418, %multiple_of3A_419] : memref<8x1144x768xf32, #tpu.memory_space<hbm>> -> memref<1x376x128xf32, #tpu.memory_space<hbm>>
        %dma_wait3A_885 = tpu.memref_squeeze %dma_wait3A_884 : memref<1x376x128xf32, #tpu.memory_space<hbm>> -> memref<376x128xf32, #tpu.memory_space<hbm>>
        tpu.wait_dma2 semaphore(%arg8 : memref<!tpu.dma_semaphore, #tpu.memory_space<semaphore_mem>>) src(%dma_wait3A_885 : memref<376x128xf32, #tpu.memory_space<hbm>>) dst(%dma_wait3A_883 : memref<256x128xf32, #tpu.memory_space<vmem>>)
        %dma_wait3A_886 = arith.constant 0 : i32
        %dma_wait3A_887 = arith.constant 0 : i32
        %dma_wait3A_888 = tpu.memref_slice %arg4[%dma_wait3A_886, %dma_wait3A_887] : memref<376x128xf32, #tpu.memory_space<vmem>> -> memref<256x128xf32, #tpu.memory_space<vmem>>
        %dma_wait3A_889 = tpu.memref_slice %arg2[%rem3A_411, %multiple_of3A_418, %multiple_of3A_419] : memref<8x1144x768xf32, #tpu.memory_space<hbm>> -> memref<1x376x128xf32, #tpu.memory_space<hbm>>
        %dma_wait3A_890 = tpu.memref_squeeze %dma_wait3A_889 : memref<1x376x128xf32, #tpu.memory_space<hbm>> -> memref<376x128xf32, #tpu.memory_space<hbm>>
        %dma_wait3A_891 = arith.constant 0 : i32
        %dma_wait3A_892 = arith.constant 0 : i32
        %dma_wait3A_893 = tpu.memref_slice %arg4[%dma_wait3A_891, %dma_wait3A_892] : memref<376x128xf32, #tpu.memory_space<vmem>> -> memref<256x128xf32, #tpu.memory_space<vmem>>
        %dma_wait3A_894 = tpu.memref_slice %arg2[%rem3A_411, %multiple_of3A_418, %multiple_of3A_419] : memref<8x1144x768xf32, #tpu.memory_space<hbm>> -> memref<1x376x128xf32, #tpu.memory_space<hbm>>
        %dma_wait3A_895 = tpu.memref_squeeze %dma_wait3A_894 : memref<1x376x128xf32, #tpu.memory_space<hbm>> -> memref<376x128xf32, #tpu.memory_space<hbm>>
        tpu.wait_dma2 semaphore(%arg8 : memref<!tpu.dma_semaphore, #tpu.memory_space<semaphore_mem>>) src(%dma_wait3A_895 : memref<376x128xf32, #tpu.memory_space<hbm>>) dst(%dma_wait3A_893 : memref<256x128xf32, #tpu.memory_space<vmem>>)
        %dma_wait3A_896 = arith.constant 0 : i32
        %dma_wait3A_897 = arith.constant 0 : i32
        %dma_wait3A_898 = tpu.memref_slice %arg4[%dma_wait3A_896, %dma_wait3A_897] : memref<376x128xf32, #tpu.memory_space<vmem>> -> memref<256x128xf32, #tpu.memory_space<vmem>>
        %dma_wait3A_899 = tpu.memref_slice %arg2[%rem3A_411, %multiple_of3A_418, %multiple_of3A_419] : memref<8x1144x768xf32, #tpu.memory_space<hbm>> -> memref<1x376x128xf32, #tpu.memory_space<hbm>>
        %dma_wait3A_900 = tpu.memref_squeeze %dma_wait3A_899 : memref<1x376x128xf32, #tpu.memory_space<hbm>> -> memref<376x128xf32, #tpu.memory_space<hbm>>
        %dma_wait3A_901 = arith.constant 0 : i32
        %dma_wait3A_902 = arith.constant 0 : i32
        %dma_wait3A_903 = tpu.memref_slice %arg4[%dma_wait3A_901, %dma_wait3A_902] : memref<376x128xf32, #tpu.memory_space<vmem>> -> memref<256x128xf32, #tpu.memory_space<vmem>>
        %dma_wait3A_904 = tpu.memref_slice %arg2[%rem3A_411, %multiple_of3A_418, %multiple_of3A_419] : memref<8x1144x768xf32, #tpu.memory_space<hbm>> -> memref<1x376x128xf32, #tpu.memory_space<hbm>>
        %dma_wait3A_905 = tpu.memref_squeeze %dma_wait3A_904 : memref<1x376x128xf32, #tpu.memory_space<hbm>> -> memref<376x128xf32, #tpu.memory_space<hbm>>
        tpu.wait_dma2 semaphore(%arg8 : memref<!tpu.dma_semaphore, #tpu.memory_space<semaphore_mem>>) src(%dma_wait3A_905 : memref<376x128xf32, #tpu.memory_space<hbm>>) dst(%dma_wait3A_903 : memref<256x128xf32, #tpu.memory_space<vmem>>)
        %dma_wait3A_906 = arith.constant 0 : i32
        %dma_wait3A_907 = arith.constant 0 : i32
        %dma_wait3A_908 = tpu.memref_slice %arg4[%dma_wait3A_906, %dma_wait3A_907] : memref<376x128xf32, #tpu.memory_space<vmem>> -> memref<256x128xf32, #tpu.memory_space<vmem>>
        %dma_wait3A_909 = tpu.memref_slice %arg2[%rem3A_411, %multiple_of3A_418, %multiple_of3A_419] : memref<8x1144x768xf32, #tpu.memory_space<hbm>> -> memref<1x376x128xf32, #tpu.memory_space<hbm>>
        %dma_wait3A_910 = tpu.memref_squeeze %dma_wait3A_909 : memref<1x376x128xf32, #tpu.memory_space<hbm>> -> memref<376x128xf32, #tpu.memory_space<hbm>>
        %dma_wait3A_911 = arith.constant 0 : i32
        %dma_wait3A_912 = arith.constant 0 : i32
        %dma_wait3A_913 = tpu.memref_slice %arg4[%dma_wait3A_911, %dma_wait3A_912] : memref<376x128xf32, #tpu.memory_space<vmem>> -> memref<256x128xf32, #tpu.memory_space<vmem>>
        %dma_wait3A_914 = tpu.memref_slice %arg2[%rem3A_411, %multiple_of3A_418, %multiple_of3A_419] : memref<8x1144x768xf32, #tpu.memory_space<hbm>> -> memref<1x376x128xf32, #tpu.memory_space<hbm>>
        %dma_wait3A_915 = tpu.memref_squeeze %dma_wait3A_914 : memref<1x376x128xf32, #tpu.memory_space<hbm>> -> memref<376x128xf32, #tpu.memory_space<hbm>>
        tpu.wait_dma2 semaphore(%arg8 : memref<!tpu.dma_semaphore, #tpu.memory_space<semaphore_mem>>) src(%dma_wait3A_915 : memref<376x128xf32, #tpu.memory_space<hbm>>) dst(%dma_wait3A_913 : memref<256x128xf32, #tpu.memory_space<vmem>>)
        %dma_wait3A_916 = arith.constant 0 : i32
        %dma_wait3A_917 = arith.constant 0 : i32
        %dma_wait3A_918 = tpu.memref_slice %arg4[%dma_wait3A_916, %dma_wait3A_917] : memref<376x128xf32, #tpu.memory_space<vmem>> -> memref<256x128xf32, #tpu.memory_space<vmem>>
        %dma_wait3A_919 = tpu.memref_slice %arg2[%rem3A_411, %multiple_of3A_418, %multiple_of3A_419] : memref<8x1144x768xf32, #tpu.memory_space<hbm>> -> memref<1x376x128xf32, #tpu.memory_space<hbm>>
        %dma_wait3A_920 = tpu.memref_squeeze %dma_wait3A_919 : memref<1x376x128xf32, #tpu.memory_space<hbm>> -> memref<376x128xf32, #tpu.memory_space<hbm>>
        %dma_wait3A_921 = arith.constant 0 : i32
        %dma_wait3A_922 = arith.constant 0 : i32
        %dma_wait3A_923 = tpu.memref_slice %arg4[%dma_wait3A_921, %dma_wait3A_922] : memref<376x128xf32, #tpu.memory_space<vmem>> -> memref<256x128xf32, #tpu.memory_space<vmem>>
        %dma_wait3A_924 = tpu.memref_slice %arg2[%rem3A_411, %multiple_of3A_418, %multiple_of3A_419] : memref<8x1144x768xf32, #tpu.memory_space<hbm>> -> memref<1x376x128xf32, #tpu.memory_space<hbm>>
        %dma_wait3A_925 = tpu.memref_squeeze %dma_wait3A_924 : memref<1x376x128xf32, #tpu.memory_space<hbm>> -> memref<376x128xf32, #tpu.memory_space<hbm>>
        tpu.wait_dma2 semaphore(%arg8 : memref<!tpu.dma_semaphore, #tpu.memory_space<semaphore_mem>>) src(%dma_wait3A_925 : memref<376x128xf32, #tpu.memory_space<hbm>>) dst(%dma_wait3A_923 : memref<256x128xf32, #tpu.memory_space<vmem>>)
        %dma_wait3A_926 = arith.constant 0 : i32
        %dma_wait3A_927 = arith.constant 0 : i32
        %dma_wait3A_928 = tpu.memref_slice %arg4[%dma_wait3A_926, %dma_wait3A_927] : memref<376x128xf32, #tpu.memory_space<vmem>> -> memref<256x128xf32, #tpu.memory_space<vmem>>
        %dma_wait3A_929 = tpu.memref_slice %arg2[%rem3A_411, %multiple_of3A_418, %multiple_of3A_419] : memref<8x1144x768xf32, #tpu.memory_space<hbm>> -> memref<1x376x128xf32, #tpu.memory_space<hbm>>
        %dma_wait3A_930 = tpu.memref_squeeze %dma_wait3A_929 : memref<1x376x128xf32, #tpu.memory_space<hbm>> -> memref<376x128xf32, #tpu.memory_space<hbm>>
        %dma_wait3A_931 = arith.constant 0 : i32
        %dma_wait3A_932 = arith.constant 0 : i32
        %dma_wait3A_933 = tpu.memref_slice %arg4[%dma_wait3A_931, %dma_wait3A_932] : memref<376x128xf32, #tpu.memory_space<vmem>> -> memref<256x128xf32, #tpu.memory_space<vmem>>
        %dma_wait3A_934 = tpu.memref_slice %arg2[%rem3A_411, %multiple_of3A_418, %multiple_of3A_419] : memref<8x1144x768xf32, #tpu.memory_space<hbm>> -> memref<1x376x128xf32, #tpu.memory_space<hbm>>
        %dma_wait3A_935 = tpu.memref_squeeze %dma_wait3A_934 : memref<1x376x128xf32, #tpu.memory_space<hbm>> -> memref<376x128xf32, #tpu.memory_space<hbm>>
        tpu.wait_dma2 semaphore(%arg8 : memref<!tpu.dma_semaphore, #tpu.memory_space<semaphore_mem>>) src(%dma_wait3A_935 : memref<376x128xf32, #tpu.memory_space<hbm>>) dst(%dma_wait3A_933 : memref<256x128xf32, #tpu.memory_space<vmem>>)
        %dma_wait3A_936 = arith.constant 0 : i32
        %dma_wait3A_937 = arith.constant 0 : i32
        %dma_wait3A_938 = tpu.memref_slice %arg4[%dma_wait3A_936, %dma_wait3A_937] : memref<376x128xf32, #tpu.memory_space<vmem>> -> memref<256x128xf32, #tpu.memory_space<vmem>>
        %dma_wait3A_939 = tpu.memref_slice %arg2[%rem3A_411, %multiple_of3A_418, %multiple_of3A_419] : memref<8x1144x768xf32, #tpu.memory_space<hbm>> -> memref<1x376x128xf32, #tpu.memory_space<hbm>>
        %dma_wait3A_940 = tpu.memref_squeeze %dma_wait3A_939 : memref<1x376x128xf32, #tpu.memory_space<hbm>> -> memref<376x128xf32, #tpu.memory_space<hbm>>
        %dma_wait3A_941 = arith.constant 0 : i32
        %dma_wait3A_942 = arith.constant 0 : i32
        %dma_wait3A_943 = tpu.memref_slice %arg4[%dma_wait3A_941, %dma_wait3A_942] : memref<376x128xf32, #tpu.memory_space<vmem>> -> memref<256x128xf32, #tpu.memory_space<vmem>>
        %dma_wait3A_944 = tpu.memref_slice %arg2[%rem3A_411, %multiple_of3A_418, %multiple_of3A_419] : memref<8x1144x768xf32, #tpu.memory_space<hbm>> -> memref<1x376x128xf32, #tpu.memory_space<hbm>>
        %dma_wait3A_945 = tpu.memref_squeeze %dma_wait3A_944 : memref<1x376x128xf32, #tpu.memory_space<hbm>> -> memref<376x128xf32, #tpu.memory_space<hbm>>
        tpu.wait_dma2 semaphore(%arg8 : memref<!tpu.dma_semaphore, #tpu.memory_space<semaphore_mem>>) src(%dma_wait3A_945 : memref<376x128xf32, #tpu.memory_space<hbm>>) dst(%dma_wait3A_943 : memref<256x128xf32, #tpu.memory_space<vmem>>)
        %dma_wait3A_946 = arith.constant 0 : i32
        %dma_wait3A_947 = arith.constant 0 : i32
        %dma_wait3A_948 = tpu.memref_slice %arg4[%dma_wait3A_946, %dma_wait3A_947] : memref<376x128xf32, #tpu.memory_space<vmem>> -> memref<256x128xf32, #tpu.memory_space<vmem>>
        %dma_wait3A_949 = tpu.memref_slice %arg2[%rem3A_411, %multiple_of3A_418, %multiple_of3A_419] : memref<8x1144x768xf32, #tpu.memory_space<hbm>> -> memref<1x376x128xf32, #tpu.memory_space<hbm>>
        %dma_wait3A_950 = tpu.memref_squeeze %dma_wait3A_949 : memref<1x376x128xf32, #tpu.memory_space<hbm>> -> memref<376x128xf32, #tpu.memory_space<hbm>>
        %dma_wait3A_951 = arith.constant 0 : i32
        %dma_wait3A_952 = arith.constant 0 : i32
        %dma_wait3A_953 = tpu.memref_slice %arg4[%dma_wait3A_951, %dma_wait3A_952] : memref<376x128xf32, #tpu.memory_space<vmem>> -> memref<256x128xf32, #tpu.memory_space<vmem>>
        %dma_wait3A_954 = tpu.memref_slice %arg2[%rem3A_411, %multiple_of3A_418, %multiple_of3A_419] : memref<8x1144x768xf32, #tpu.memory_space<hbm>> -> memref<1x376x128xf32, #tpu.memory_space<hbm>>
        %dma_wait3A_955 = tpu.memref_squeeze %dma_wait3A_954 : memref<1x376x128xf32, #tpu.memory_space<hbm>> -> memref<376x128xf32, #tpu.memory_space<hbm>>
        tpu.wait_dma2 semaphore(%arg8 : memref<!tpu.dma_semaphore, #tpu.memory_space<semaphore_mem>>) src(%dma_wait3A_955 : memref<376x128xf32, #tpu.memory_space<hbm>>) dst(%dma_wait3A_953 : memref<256x128xf32, #tpu.memory_space<vmem>>)
        %dma_wait3A_956 = arith.constant 0 : i32
        %dma_wait3A_957 = arith.constant 0 : i32
        %dma_wait3A_958 = tpu.memref_slice %arg4[%dma_wait3A_956, %dma_wait3A_957] : memref<376x128xf32, #tpu.memory_space<vmem>> -> memref<256x128xf32, #tpu.memory_space<vmem>>
        %dma_wait3A_959 = tpu.memref_slice %arg2[%rem3A_411, %multiple_of3A_418, %multiple_of3A_419] : memref<8x1144x768xf32, #tpu.memory_space<hbm>> -> memref<1x376x128xf32, #tpu.memory_space<hbm>>
        %dma_wait3A_960 = tpu.memref_squeeze %dma_wait3A_959 : memref<1x376x128xf32, #tpu.memory_space<hbm>> -> memref<376x128xf32, #tpu.memory_space<hbm>>
        %dma_wait3A_961 = arith.constant 0 : i32
        %dma_wait3A_962 = arith.constant 0 : i32
        %dma_wait3A_963 = tpu.memref_slice %arg4[%dma_wait3A_961, %dma_wait3A_962] : memref<376x128xf32, #tpu.memory_space<vmem>> -> memref<256x128xf32, #tpu.memory_space<vmem>>
        %dma_wait3A_964 = tpu.memref_slice %arg2[%rem3A_411, %multiple_of3A_418, %multiple_of3A_419] : memref<8x1144x768xf32, #tpu.memory_space<hbm>> -> memref<1x376x128xf32, #tpu.memory_space<hbm>>
        %dma_wait3A_965 = tpu.memref_squeeze %dma_wait3A_964 : memref<1x376x128xf32, #tpu.memory_space<hbm>> -> memref<376x128xf32, #tpu.memory_space<hbm>>
        tpu.wait_dma2 semaphore(%arg8 : memref<!tpu.dma_semaphore, #tpu.memory_space<semaphore_mem>>) src(%dma_wait3A_965 : memref<376x128xf32, #tpu.memory_space<hbm>>) dst(%dma_wait3A_963 : memref<256x128xf32, #tpu.memory_space<vmem>>)
        %dma_wait3A_966 = arith.constant 0 : i32
        %dma_wait3A_967 = arith.constant 0 : i32
        %dma_wait3A_968 = tpu.memref_slice %arg4[%dma_wait3A_966, %dma_wait3A_967] : memref<376x128xf32, #tpu.memory_space<vmem>> -> memref<256x128xf32, #tpu.memory_space<vmem>>
        %dma_wait3A_969 = tpu.memref_slice %arg2[%rem3A_411, %multiple_of3A_418, %multiple_of3A_419] : memref<8x1144x768xf32, #tpu.memory_space<hbm>> -> memref<1x376x128xf32, #tpu.memory_space<hbm>>
        %dma_wait3A_970 = tpu.memref_squeeze %dma_wait3A_969 : memref<1x376x128xf32, #tpu.memory_space<hbm>> -> memref<376x128xf32, #tpu.memory_space<hbm>>
        %dma_wait3A_971 = arith.constant 0 : i32
        %dma_wait3A_972 = arith.constant 0 : i32
        %dma_wait3A_973 = tpu.memref_slice %arg4[%dma_wait3A_971, %dma_wait3A_972] : memref<376x128xf32, #tpu.memory_space<vmem>> -> memref<256x128xf32, #tpu.memory_space<vmem>>
        %dma_wait3A_974 = tpu.memref_slice %arg2[%rem3A_411, %multiple_of3A_418, %multiple_of3A_419] : memref<8x1144x768xf32, #tpu.memory_space<hbm>> -> memref<1x376x128xf32, #tpu.memory_space<hbm>>
        %dma_wait3A_975 = tpu.memref_squeeze %dma_wait3A_974 : memref<1x376x128xf32, #tpu.memory_space<hbm>> -> memref<376x128xf32, #tpu.memory_space<hbm>>
        tpu.wait_dma2 semaphore(%arg8 : memref<!tpu.dma_semaphore, #tpu.memory_space<semaphore_mem>>) src(%dma_wait3A_975 : memref<376x128xf32, #tpu.memory_space<hbm>>) dst(%dma_wait3A_973 : memref<256x128xf32, #tpu.memory_space<vmem>>)
        %dma_wait3A_976 = arith.constant 0 : i32
        %dma_wait3A_977 = arith.constant 0 : i32
        %dma_wait3A_978 = tpu.memref_slice %arg4[%dma_wait3A_976, %dma_wait3A_977] : memref<376x128xf32, #tpu.memory_space<vmem>> -> memref<256x128xf32, #tpu.memory_space<vmem>>
        %dma_wait3A_979 = tpu.memref_slice %arg2[%rem3A_411, %multiple_of3A_418, %multiple_of3A_419] : memref<8x1144x768xf32, #tpu.memory_space<hbm>> -> memref<1x376x128xf32, #tpu.memory_space<hbm>>
        %dma_wait3A_980 = tpu.memref_squeeze %dma_wait3A_979 : memref<1x376x128xf32, #tpu.memory_space<hbm>> -> memref<376x128xf32, #tpu.memory_space<hbm>>
        %dma_wait3A_981 = arith.constant 0 : i32
        %dma_wait3A_982 = arith.constant 0 : i32
        %dma_wait3A_983 = tpu.memref_slice %arg4[%dma_wait3A_981, %dma_wait3A_982] : memref<376x128xf32, #tpu.memory_space<vmem>> -> memref<256x128xf32, #tpu.memory_space<vmem>>
        %dma_wait3A_984 = tpu.memref_slice %arg2[%rem3A_411, %multiple_of3A_418, %multiple_of3A_419] : memref<8x1144x768xf32, #tpu.memory_space<hbm>> -> memref<1x376x128xf32, #tpu.memory_space<hbm>>
        %dma_wait3A_985 = tpu.memref_squeeze %dma_wait3A_984 : memref<1x376x128xf32, #tpu.memory_space<hbm>> -> memref<376x128xf32, #tpu.memory_space<hbm>>
        tpu.wait_dma2 semaphore(%arg8 : memref<!tpu.dma_semaphore, #tpu.memory_space<semaphore_mem>>) src(%dma_wait3A_985 : memref<376x128xf32, #tpu.memory_space<hbm>>) dst(%dma_wait3A_983 : memref<256x128xf32, #tpu.memory_space<vmem>>)
        %dma_wait3A_986 = arith.constant 0 : i32
        %dma_wait3A_987 = arith.constant 0 : i32
        %dma_wait3A_988 = tpu.memref_slice %arg4[%dma_wait3A_986, %dma_wait3A_987] : memref<376x128xf32, #tpu.memory_space<vmem>> -> memref<256x128xf32, #tpu.memory_space<vmem>>
        %dma_wait3A_989 = tpu.memref_slice %arg2[%rem3A_411, %multiple_of3A_418, %multiple_of3A_419] : memref<8x1144x768xf32, #tpu.memory_space<hbm>> -> memref<1x376x128xf32, #tpu.memory_space<hbm>>
        %dma_wait3A_990 = tpu.memref_squeeze %dma_wait3A_989 : memref<1x376x128xf32, #tpu.memory_space<hbm>> -> memref<376x128xf32, #tpu.memory_space<hbm>>
        %dma_wait3A_991 = arith.constant 0 : i32
        %dma_wait3A_992 = arith.constant 0 : i32
        %dma_wait3A_993 = tpu.memref_slice %arg4[%dma_wait3A_991, %dma_wait3A_992] : memref<376x128xf32, #tpu.memory_space<vmem>> -> memref<256x128xf32, #tpu.memory_space<vmem>>
        %dma_wait3A_994 = tpu.memref_slice %arg2[%rem3A_411, %multiple_of3A_418, %multiple_of3A_419] : memref<8x1144x768xf32, #tpu.memory_space<hbm>> -> memref<1x376x128xf32, #tpu.memory_space<hbm>>
        %dma_wait3A_995 = tpu.memref_squeeze %dma_wait3A_994 : memref<1x376x128xf32, #tpu.memory_space<hbm>> -> memref<376x128xf32, #tpu.memory_space<hbm>>
        tpu.wait_dma2 semaphore(%arg8 : memref<!tpu.dma_semaphore, #tpu.memory_space<semaphore_mem>>) src(%dma_wait3A_995 : memref<376x128xf32, #tpu.memory_space<hbm>>) dst(%dma_wait3A_993 : memref<256x128xf32, #tpu.memory_space<vmem>>)
        %dma_wait3A_996 = arith.constant 0 : i32
        %dma_wait3A_997 = arith.constant 0 : i32
        %dma_wait3A_998 = tpu.memref_slice %arg4[%dma_wait3A_996, %dma_wait3A_997] : memref<376x128xf32, #tpu.memory_space<vmem>> -> memref<256x128xf32, #tpu.memory_space<vmem>>
        %dma_wait3A_999 = tpu.memref_slice %arg2[%rem3A_411, %multiple_of3A_418, %multiple_of3A_419] : memref<8x1144x768xf32, #tpu.memory_space<hbm>> -> memref<1x376x128xf32, #tpu.memory_space<hbm>>
        %dma_wait3A_1000 = tpu.memref_squeeze %dma_wait3A_999 : memref<1x376x128xf32, #tpu.memory_space<hbm>> -> memref<376x128xf32, #tpu.memory_space<hbm>>
        %dma_wait3A_1001 = arith.constant 0 : i32
        %dma_wait3A_1002 = arith.constant 0 : i32
        %dma_wait3A_1003 = tpu.memref_slice %arg4[%dma_wait3A_1001, %dma_wait3A_1002] : memref<376x128xf32, #tpu.memory_space<vmem>> -> memref<256x128xf32, #tpu.memory_space<vmem>>
        %dma_wait3A_1004 = tpu.memref_slice %arg2[%rem3A_411, %multiple_of3A_418, %multiple_of3A_419] : memref<8x1144x768xf32, #tpu.memory_space<hbm>> -> memref<1x376x128xf32, #tpu.memory_space<hbm>>
        %dma_wait3A_1005 = tpu.memref_squeeze %dma_wait3A_1004 : memref<1x376x128xf32, #tpu.memory_space<hbm>> -> memref<376x128xf32, #tpu.memory_space<hbm>>
        tpu.wait_dma2 semaphore(%arg8 : memref<!tpu.dma_semaphore, #tpu.memory_space<semaphore_mem>>) src(%dma_wait3A_1005 : memref<376x128xf32, #tpu.memory_space<hbm>>) dst(%dma_wait3A_1003 : memref<256x128xf32, #tpu.memory_space<vmem>>)
        %dma_wait3A_1006 = arith.constant 0 : i32
        %dma_wait3A_1007 = arith.constant 0 : i32
        %dma_wait3A_1008 = tpu.memref_slice %arg4[%dma_wait3A_1006, %dma_wait3A_1007] : memref<376x128xf32, #tpu.memory_space<vmem>> -> memref<256x128xf32, #tpu.memory_space<vmem>>
        %dma_wait3A_1009 = tpu.memref_slice %arg2[%rem3A_411, %multiple_of3A_418, %multiple_of3A_419] : memref<8x1144x768xf32, #tpu.memory_space<hbm>> -> memref<1x376x128xf32, #tpu.memory_space<hbm>>
        %dma_wait3A_1010 = tpu.memref_squeeze %dma_wait3A_1009 : memref<1x376x128xf32, #tpu.memory_space<hbm>> -> memref<376x128xf32, #tpu.memory_space<hbm>>
        %dma_wait3A_1011 = arith.constant 0 : i32
        %dma_wait3A_1012 = arith.constant 0 : i32
        %dma_wait3A_1013 = tpu.memref_slice %arg4[%dma_wait3A_1011, %dma_wait3A_1012] : memref<376x128xf32, #tpu.memory_space<vmem>> -> memref<256x128xf32, #tpu.memory_space<vmem>>
        %dma_wait3A_1014 = tpu.memref_slice %arg2[%rem3A_411, %multiple_of3A_418, %multiple_of3A_419] : memref<8x1144x768xf32, #tpu.memory_space<hbm>> -> memref<1x376x128xf32, #tpu.memory_space<hbm>>
        %dma_wait3A_1015 = tpu.memref_squeeze %dma_wait3A_1014 : memref<1x376x128xf32, #tpu.memory_space<hbm>> -> memref<376x128xf32, #tpu.memory_space<hbm>>
        tpu.wait_dma2 semaphore(%arg8 : memref<!tpu.dma_semaphore, #tpu.memory_space<semaphore_mem>>) src(%dma_wait3A_1015 : memref<376x128xf32, #tpu.memory_space<hbm>>) dst(%dma_wait3A_1013 : memref<256x128xf32, #tpu.memory_space<vmem>>)
      } else {
      }
      %dma_start3A = tpu.memref_slice %arg2[%rem3A_411, %multiple_of3A_418, %multiple_of3A_419] : memref<8x1144x768xf32, #tpu.memory_space<hbm>> -> memref<1x376x128xf32, #tpu.memory_space<hbm>>
      %dma_start3A_454 = tpu.memref_squeeze %dma_start3A : memref<1x376x128xf32, #tpu.memory_space<hbm>> -> memref<376x128xf32, #tpu.memory_space<hbm>>
      %dma_start3A_455 = tpu.memref_slice %arg2[%rem3A_411, %multiple_of3A_418, %multiple_of3A_419] : memref<8x1144x768xf32, #tpu.memory_space<hbm>> -> memref<1x376x128xf32, #tpu.memory_space<hbm>>
      %dma_start3A_456 = tpu.memref_squeeze %dma_start3A_455 : memref<1x376x128xf32, #tpu.memory_space<hbm>> -> memref<376x128xf32, #tpu.memory_space<hbm>>
      tpu.enqueue_dma source(%dma_start3A_456 : memref<376x128xf32, #tpu.memory_space<hbm>>) target(%arg4 : memref<376x128xf32, #tpu.memory_space<vmem>>) target_semaphore(%arg6 : memref<!tpu.dma_semaphore, #tpu.memory_space<semaphore_mem>>)
      %dma_wait3A_457 = tpu.memref_slice %arg2[%rem3A_411, %multiple_of3A_418, %multiple_of3A_419] : memref<8x1144x768xf32, #tpu.memory_space<hbm>> -> memref<1x376x128xf32, #tpu.memory_space<hbm>>
      %dma_wait3A_458 = tpu.memref_squeeze %dma_wait3A_457 : memref<1x376x128xf32, #tpu.memory_space<hbm>> -> memref<376x128xf32, #tpu.memory_space<hbm>>
      %dma_wait3A_459 = tpu.memref_slice %arg2[%rem3A_411, %multiple_of3A_418, %multiple_of3A_419] : memref<8x1144x768xf32, #tpu.memory_space<hbm>> -> memref<1x376x128xf32, #tpu.memory_space<hbm>>
      %dma_wait3A_460 = tpu.memref_squeeze %dma_wait3A_459 : memref<1x376x128xf32, #tpu.memory_space<hbm>> -> memref<376x128xf32, #tpu.memory_space<hbm>>
      tpu.wait_dma2 semaphore(%arg6 : memref<!tpu.dma_semaphore, #tpu.memory_space<semaphore_mem>>) src(%dma_wait3A_460 : memref<376x128xf32, #tpu.memory_space<hbm>>) dst(%arg4 : memref<376x128xf32, #tpu.memory_space<vmem>>)
      %dma_start3A_461 = arith.constant 120 : i32
      %dma_start3A_462 = arith.constant 0 : i32
      %dma_start3A_463 = tpu.memref_slice %arg4[%dma_start3A_461, %dma_start3A_462] : memref<376x128xf32, #tpu.memory_space<vmem>> -> memref<256x128xf32, #tpu.memory_space<vmem>>
      %dma_start3A_464 = tpu.memref_slice %arg3[%add3A_421, %mul3A_401, %multiple_of3A_419] : memref<512x512x768xf32, #tpu.memory_space<hbm>> -> memref<1x256x128xf32, #tpu.memory_space<hbm>>
      %dma_start3A_465 = tpu.memref_squeeze %dma_start3A_464 : memref<1x256x128xf32, #tpu.memory_space<hbm>> -> memref<256x128xf32, #tpu.memory_space<hbm>>
      %dma_start3A_466 = tpu.memref_slice %arg3[%add3A_421, %mul3A_401, %multiple_of3A_419] : memref<512x512x768xf32, #tpu.memory_space<hbm>> -> memref<1x256x128xf32, #tpu.memory_space<hbm>>
      %dma_start3A_467 = tpu.memref_squeeze %dma_start3A_466 : memref<1x256x128xf32, #tpu.memory_space<hbm>> -> memref<256x128xf32, #tpu.memory_space<hbm>>
      %dma_start3A_468 = arith.constant 120 : i32
      %dma_start3A_469 = arith.constant 0 : i32
      %dma_start3A_470 = tpu.memref_slice %arg4[%dma_start3A_468, %dma_start3A_469] : memref<376x128xf32, #tpu.memory_space<vmem>> -> memref<256x128xf32, #tpu.memory_space<vmem>>
      tpu.enqueue_dma source(%dma_start3A_470 : memref<256x128xf32, #tpu.memory_space<vmem>>) target(%dma_start3A_467 : memref<256x128xf32, #tpu.memory_space<hbm>>) target_semaphore(%arg8 : memref<!tpu.dma_semaphore, #tpu.memory_space<semaphore_mem>>)
      %dma_start3A_471 = arith.constant 112 : i32
      %dma_start3A_472 = arith.constant 0 : i32
      %dma_start3A_473 = tpu.memref_slice %arg4[%dma_start3A_471, %dma_start3A_472] : memref<376x128xf32, #tpu.memory_space<vmem>> -> memref<256x128xf32, #tpu.memory_space<vmem>>
      %dma_start3A_474 = tpu.memref_slice %arg3[%add3A_423, %mul3A_401, %multiple_of3A_419] : memref<512x512x768xf32, #tpu.memory_space<hbm>> -> memref<1x256x128xf32, #tpu.memory_space<hbm>>
      %dma_start3A_475 = tpu.memref_squeeze %dma_start3A_474 : memref<1x256x128xf32, #tpu.memory_space<hbm>> -> memref<256x128xf32, #tpu.memory_space<hbm>>
      %dma_start3A_476 = tpu.memref_slice %arg3[%add3A_423, %mul3A_401, %multiple_of3A_419] : memref<512x512x768xf32, #tpu.memory_space<hbm>> -> memref<1x256x128xf32, #tpu.memory_space<hbm>>
      %dma_start3A_477 = tpu.memref_squeeze %dma_start3A_476 : memref<1x256x128xf32, #tpu.memory_space<hbm>> -> memref<256x128xf32, #tpu.memory_space<hbm>>
      %dma_start3A_478 = arith.constant 112 : i32
      %dma_start3A_479 = arith.constant 0 : i32
      %dma_start3A_480 = tpu.memref_slice %arg4[%dma_start3A_478, %dma_start3A_479] : memref<376x128xf32, #tpu.memory_space<vmem>> -> memref<256x128xf32, #tpu.memory_space<vmem>>
      tpu.enqueue_dma source(%dma_start3A_480 : memref<256x128xf32, #tpu.memory_space<vmem>>) target(%dma_start3A_477 : memref<256x128xf32, #tpu.memory_space<hbm>>) target_semaphore(%arg8 : memref<!tpu.dma_semaphore, #tpu.memory_space<semaphore_mem>>)
      %dma_start3A_481 = arith.constant 104 : i32
      %dma_start3A_482 = arith.constant 0 : i32
      %dma_start3A_483 = tpu.memref_slice %arg4[%dma_start3A_481, %dma_start3A_482] : memref<376x128xf32, #tpu.memory_space<vmem>> -> memref<256x128xf32, #tpu.memory_space<vmem>>
      %dma_start3A_484 = tpu.memref_slice %arg3[%add3A_425, %mul3A_401, %multiple_of3A_419] : memref<512x512x768xf32, #tpu.memory_space<hbm>> -> memref<1x256x128xf32, #tpu.memory_space<hbm>>
      %dma_start3A_485 = tpu.memref_squeeze %dma_start3A_484 : memref<1x256x128xf32, #tpu.memory_space<hbm>> -> memref<256x128xf32, #tpu.memory_space<hbm>>
      %dma_start3A_486 = tpu.memref_slice %arg3[%add3A_425, %mul3A_401, %multiple_of3A_419] : memref<512x512x768xf32, #tpu.memory_space<hbm>> -> memref<1x256x128xf32, #tpu.memory_space<hbm>>
      %dma_start3A_487 = tpu.memref_squeeze %dma_start3A_486 : memref<1x256x128xf32, #tpu.memory_space<hbm>> -> memref<256x128xf32, #tpu.memory_space<hbm>>
      %dma_start3A_488 = arith.constant 104 : i32
      %dma_start3A_489 = arith.constant 0 : i32
      %dma_start3A_490 = tpu.memref_slice %arg4[%dma_start3A_488, %dma_start3A_489] : memref<376x128xf32, #tpu.memory_space<vmem>> -> memref<256x128xf32, #tpu.memory_space<vmem>>
      tpu.enqueue_dma source(%dma_start3A_490 : memref<256x128xf32, #tpu.memory_space<vmem>>) target(%dma_start3A_487 : memref<256x128xf32, #tpu.memory_space<hbm>>) target_semaphore(%arg8 : memref<!tpu.dma_semaphore, #tpu.memory_space<semaphore_mem>>)
      %dma_start3A_491 = arith.constant 96 : i32
      %dma_start3A_492 = arith.constant 0 : i32
      %dma_start3A_493 = tpu.memref_slice %arg4[%dma_start3A_491, %dma_start3A_492] : memref<376x128xf32, #tpu.memory_space<vmem>> -> memref<256x128xf32, #tpu.memory_space<vmem>>
      %dma_start3A_494 = tpu.memref_slice %arg3[%add3A_427, %mul3A_401, %multiple_of3A_419] : memref<512x512x768xf32, #tpu.memory_space<hbm>> -> memref<1x256x128xf32, #tpu.memory_space<hbm>>
      %dma_start3A_495 = tpu.memref_squeeze %dma_start3A_494 : memref<1x256x128xf32, #tpu.memory_space<hbm>> -> memref<256x128xf32, #tpu.memory_space<hbm>>
      %dma_start3A_496 = tpu.memref_slice %arg3[%add3A_427, %mul3A_401, %multiple_of3A_419] : memref<512x512x768xf32, #tpu.memory_space<hbm>> -> memref<1x256x128xf32, #tpu.memory_space<hbm>>
      %dma_start3A_497 = tpu.memref_squeeze %dma_start3A_496 : memref<1x256x128xf32, #tpu.memory_space<hbm>> -> memref<256x128xf32, #tpu.memory_space<hbm>>
      %dma_start3A_498 = arith.constant 96 : i32
      %dma_start3A_499 = arith.constant 0 : i32
      %dma_start3A_500 = tpu.memref_slice %arg4[%dma_start3A_498, %dma_start3A_499] : memref<376x128xf32, #tpu.memory_space<vmem>> -> memref<256x128xf32, #tpu.memory_space<vmem>>
      tpu.enqueue_dma source(%dma_start3A_500 : memref<256x128xf32, #tpu.memory_space<vmem>>) target(%dma_start3A_497 : memref<256x128xf32, #tpu.memory_space<hbm>>) target_semaphore(%arg8 : memref<!tpu.dma_semaphore, #tpu.memory_space<semaphore_mem>>)
      %dma_start3A_501 = arith.constant 88 : i32
      %dma_start3A_502 = arith.constant 0 : i32
      %dma_start3A_503 = tpu.memref_slice %arg4[%dma_start3A_501, %dma_start3A_502] : memref<376x128xf32, #tpu.memory_space<vmem>> -> memref<256x128xf32, #tpu.memory_space<vmem>>
      %dma_start3A_504 = tpu.memref_slice %arg3[%add3A_429, %mul3A_401, %multiple_of3A_419] : memref<512x512x768xf32, #tpu.memory_space<hbm>> -> memref<1x256x128xf32, #tpu.memory_space<hbm>>
      %dma_start3A_505 = tpu.memref_squeeze %dma_start3A_504 : memref<1x256x128xf32, #tpu.memory_space<hbm>> -> memref<256x128xf32, #tpu.memory_space<hbm>>
      %dma_start3A_506 = tpu.memref_slice %arg3[%add3A_429, %mul3A_401, %multiple_of3A_419] : memref<512x512x768xf32, #tpu.memory_space<hbm>> -> memref<1x256x128xf32, #tpu.memory_space<hbm>>
      %dma_start3A_507 = tpu.memref_squeeze %dma_start3A_506 : memref<1x256x128xf32, #tpu.memory_space<hbm>> -> memref<256x128xf32, #tpu.memory_space<hbm>>
      %dma_start3A_508 = arith.constant 88 : i32
      %dma_start3A_509 = arith.constant 0 : i32
      %dma_start3A_510 = tpu.memref_slice %arg4[%dma_start3A_508, %dma_start3A_509] : memref<376x128xf32, #tpu.memory_space<vmem>> -> memref<256x128xf32, #tpu.memory_space<vmem>>
      tpu.enqueue_dma source(%dma_start3A_510 : memref<256x128xf32, #tpu.memory_space<vmem>>) target(%dma_start3A_507 : memref<256x128xf32, #tpu.memory_space<hbm>>) target_semaphore(%arg8 : memref<!tpu.dma_semaphore, #tpu.memory_space<semaphore_mem>>)
      %dma_start3A_511 = arith.constant 80 : i32
      %dma_start3A_512 = arith.constant 0 : i32
      %dma_start3A_513 = tpu.memref_slice %arg4[%dma_start3A_511, %dma_start3A_512] : memref<376x128xf32, #tpu.memory_space<vmem>> -> memref<256x128xf32, #tpu.memory_space<vmem>>
      %dma_start3A_514 = tpu.memref_slice %arg3[%add3A_431, %mul3A_401, %multiple_of3A_419] : memref<512x512x768xf32, #tpu.memory_space<hbm>> -> memref<1x256x128xf32, #tpu.memory_space<hbm>>
      %dma_start3A_515 = tpu.memref_squeeze %dma_start3A_514 : memref<1x256x128xf32, #tpu.memory_space<hbm>> -> memref<256x128xf32, #tpu.memory_space<hbm>>
      %dma_start3A_516 = tpu.memref_slice %arg3[%add3A_431, %mul3A_401, %multiple_of3A_419] : memref<512x512x768xf32, #tpu.memory_space<hbm>> -> memref<1x256x128xf32, #tpu.memory_space<hbm>>
      %dma_start3A_517 = tpu.memref_squeeze %dma_start3A_516 : memref<1x256x128xf32, #tpu.memory_space<hbm>> -> memref<256x128xf32, #tpu.memory_space<hbm>>
      %dma_start3A_518 = arith.constant 80 : i32
      %dma_start3A_519 = arith.constant 0 : i32
      %dma_start3A_520 = tpu.memref_slice %arg4[%dma_start3A_518, %dma_start3A_519] : memref<376x128xf32, #tpu.memory_space<vmem>> -> memref<256x128xf32, #tpu.memory_space<vmem>>
      tpu.enqueue_dma source(%dma_start3A_520 : memref<256x128xf32, #tpu.memory_space<vmem>>) target(%dma_start3A_517 : memref<256x128xf32, #tpu.memory_space<hbm>>) target_semaphore(%arg8 : memref<!tpu.dma_semaphore, #tpu.memory_space<semaphore_mem>>)
      %dma_start3A_521 = arith.constant 72 : i32
      %dma_start3A_522 = arith.constant 0 : i32
      %dma_start3A_523 = tpu.memref_slice %arg4[%dma_start3A_521, %dma_start3A_522] : memref<376x128xf32, #tpu.memory_space<vmem>> -> memref<256x128xf32, #tpu.memory_space<vmem>>
      %dma_start3A_524 = tpu.memref_slice %arg3[%add3A_433, %mul3A_401, %multiple_of3A_419] : memref<512x512x768xf32, #tpu.memory_space<hbm>> -> memref<1x256x128xf32, #tpu.memory_space<hbm>>
      %dma_start3A_525 = tpu.memref_squeeze %dma_start3A_524 : memref<1x256x128xf32, #tpu.memory_space<hbm>> -> memref<256x128xf32, #tpu.memory_space<hbm>>
      %dma_start3A_526 = tpu.memref_slice %arg3[%add3A_433, %mul3A_401, %multiple_of3A_419] : memref<512x512x768xf32, #tpu.memory_space<hbm>> -> memref<1x256x128xf32, #tpu.memory_space<hbm>>
      %dma_start3A_527 = tpu.memref_squeeze %dma_start3A_526 : memref<1x256x128xf32, #tpu.memory_space<hbm>> -> memref<256x128xf32, #tpu.memory_space<hbm>>
      %dma_start3A_528 = arith.constant 72 : i32
      %dma_start3A_529 = arith.constant 0 : i32
      %dma_start3A_530 = tpu.memref_slice %arg4[%dma_start3A_528, %dma_start3A_529] : memref<376x128xf32, #tpu.memory_space<vmem>> -> memref<256x128xf32, #tpu.memory_space<vmem>>
      tpu.enqueue_dma source(%dma_start3A_530 : memref<256x128xf32, #tpu.memory_space<vmem>>) target(%dma_start3A_527 : memref<256x128xf32, #tpu.memory_space<hbm>>) target_semaphore(%arg8 : memref<!tpu.dma_semaphore, #tpu.memory_space<semaphore_mem>>)
      %dma_start3A_531 = arith.constant 64 : i32
      %dma_start3A_532 = arith.constant 0 : i32
      %dma_start3A_533 = tpu.memref_slice %arg4[%dma_start3A_531, %dma_start3A_532] : memref<376x128xf32, #tpu.memory_space<vmem>> -> memref<256x128xf32, #tpu.memory_space<vmem>>
      %dma_start3A_534 = tpu.memref_slice %arg3[%add3A_435, %mul3A_401, %multiple_of3A_419] : memref<512x512x768xf32, #tpu.memory_space<hbm>> -> memref<1x256x128xf32, #tpu.memory_space<hbm>>
      %dma_start3A_535 = tpu.memref_squeeze %dma_start3A_534 : memref<1x256x128xf32, #tpu.memory_space<hbm>> -> memref<256x128xf32, #tpu.memory_space<hbm>>
      %dma_start3A_536 = tpu.memref_slice %arg3[%add3A_435, %mul3A_401, %multiple_of3A_419] : memref<512x512x768xf32, #tpu.memory_space<hbm>> -> memref<1x256x128xf32, #tpu.memory_space<hbm>>
      %dma_start3A_537 = tpu.memref_squeeze %dma_start3A_536 : memref<1x256x128xf32, #tpu.memory_space<hbm>> -> memref<256x128xf32, #tpu.memory_space<hbm>>
      %dma_start3A_538 = arith.constant 64 : i32
      %dma_start3A_539 = arith.constant 0 : i32
      %dma_start3A_540 = tpu.memref_slice %arg4[%dma_start3A_538, %dma_start3A_539] : memref<376x128xf32, #tpu.memory_space<vmem>> -> memref<256x128xf32, #tpu.memory_space<vmem>>
      tpu.enqueue_dma source(%dma_start3A_540 : memref<256x128xf32, #tpu.memory_space<vmem>>) target(%dma_start3A_537 : memref<256x128xf32, #tpu.memory_space<hbm>>) target_semaphore(%arg8 : memref<!tpu.dma_semaphore, #tpu.memory_space<semaphore_mem>>)
      %dma_start3A_541 = arith.constant 56 : i32
      %dma_start3A_542 = arith.constant 0 : i32
      %dma_start3A_543 = tpu.memref_slice %arg4[%dma_start3A_541, %dma_start3A_542] : memref<376x128xf32, #tpu.memory_space<vmem>> -> memref<256x128xf32, #tpu.memory_space<vmem>>
      %dma_start3A_544 = tpu.memref_slice %arg3[%add3A_437, %mul3A_401, %multiple_of3A_419] : memref<512x512x768xf32, #tpu.memory_space<hbm>> -> memref<1x256x128xf32, #tpu.memory_space<hbm>>
      %dma_start3A_545 = tpu.memref_squeeze %dma_start3A_544 : memref<1x256x128xf32, #tpu.memory_space<hbm>> -> memref<256x128xf32, #tpu.memory_space<hbm>>
      %dma_start3A_546 = tpu.memref_slice %arg3[%add3A_437, %mul3A_401, %multiple_of3A_419] : memref<512x512x768xf32, #tpu.memory_space<hbm>> -> memref<1x256x128xf32, #tpu.memory_space<hbm>>
      %dma_start3A_547 = tpu.memref_squeeze %dma_start3A_546 : memref<1x256x128xf32, #tpu.memory_space<hbm>> -> memref<256x128xf32, #tpu.memory_space<hbm>>
      %dma_start3A_548 = arith.constant 56 : i32
      %dma_start3A_549 = arith.constant 0 : i32
      %dma_start3A_550 = tpu.memref_slice %arg4[%dma_start3A_548, %dma_start3A_549] : memref<376x128xf32, #tpu.memory_space<vmem>> -> memref<256x128xf32, #tpu.memory_space<vmem>>
      tpu.enqueue_dma source(%dma_start3A_550 : memref<256x128xf32, #tpu.memory_space<vmem>>) target(%dma_start3A_547 : memref<256x128xf32, #tpu.memory_space<hbm>>) target_semaphore(%arg8 : memref<!tpu.dma_semaphore, #tpu.memory_space<semaphore_mem>>)
      %dma_start3A_551 = arith.constant 48 : i32
      %dma_start3A_552 = arith.constant 0 : i32
      %dma_start3A_553 = tpu.memref_slice %arg4[%dma_start3A_551, %dma_start3A_552] : memref<376x128xf32, #tpu.memory_space<vmem>> -> memref<256x128xf32, #tpu.memory_space<vmem>>
      %dma_start3A_554 = tpu.memref_slice %arg3[%add3A_439, %mul3A_401, %multiple_of3A_419] : memref<512x512x768xf32, #tpu.memory_space<hbm>> -> memref<1x256x128xf32, #tpu.memory_space<hbm>>
      %dma_start3A_555 = tpu.memref_squeeze %dma_start3A_554 : memref<1x256x128xf32, #tpu.memory_space<hbm>> -> memref<256x128xf32, #tpu.memory_space<hbm>>
      %dma_start3A_556 = tpu.memref_slice %arg3[%add3A_439, %mul3A_401, %multiple_of3A_419] : memref<512x512x768xf32, #tpu.memory_space<hbm>> -> memref<1x256x128xf32, #tpu.memory_space<hbm>>
      %dma_start3A_557 = tpu.memref_squeeze %dma_start3A_556 : memref<1x256x128xf32, #tpu.memory_space<hbm>> -> memref<256x128xf32, #tpu.memory_space<hbm>>
      %dma_start3A_558 = arith.constant 48 : i32
      %dma_start3A_559 = arith.constant 0 : i32
      %dma_start3A_560 = tpu.memref_slice %arg4[%dma_start3A_558, %dma_start3A_559] : memref<376x128xf32, #tpu.memory_space<vmem>> -> memref<256x128xf32, #tpu.memory_space<vmem>>
      tpu.enqueue_dma source(%dma_start3A_560 : memref<256x128xf32, #tpu.memory_space<vmem>>) target(%dma_start3A_557 : memref<256x128xf32, #tpu.memory_space<hbm>>) target_semaphore(%arg8 : memref<!tpu.dma_semaphore, #tpu.memory_space<semaphore_mem>>)
      %dma_start3A_561 = arith.constant 40 : i32
      %dma_start3A_562 = arith.constant 0 : i32
      %dma_start3A_563 = tpu.memref_slice %arg4[%dma_start3A_561, %dma_start3A_562] : memref<376x128xf32, #tpu.memory_space<vmem>> -> memref<256x128xf32, #tpu.memory_space<vmem>>
      %dma_start3A_564 = tpu.memref_slice %arg3[%add3A_441, %mul3A_401, %multiple_of3A_419] : memref<512x512x768xf32, #tpu.memory_space<hbm>> -> memref<1x256x128xf32, #tpu.memory_space<hbm>>
      %dma_start3A_565 = tpu.memref_squeeze %dma_start3A_564 : memref<1x256x128xf32, #tpu.memory_space<hbm>> -> memref<256x128xf32, #tpu.memory_space<hbm>>
      %dma_start3A_566 = tpu.memref_slice %arg3[%add3A_441, %mul3A_401, %multiple_of3A_419] : memref<512x512x768xf32, #tpu.memory_space<hbm>> -> memref<1x256x128xf32, #tpu.memory_space<hbm>>
      %dma_start3A_567 = tpu.memref_squeeze %dma_start3A_566 : memref<1x256x128xf32, #tpu.memory_space<hbm>> -> memref<256x128xf32, #tpu.memory_space<hbm>>
      %dma_start3A_568 = arith.constant 40 : i32
      %dma_start3A_569 = arith.constant 0 : i32
      %dma_start3A_570 = tpu.memref_slice %arg4[%dma_start3A_568, %dma_start3A_569] : memref<376x128xf32, #tpu.memory_space<vmem>> -> memref<256x128xf32, #tpu.memory_space<vmem>>
      tpu.enqueue_dma source(%dma_start3A_570 : memref<256x128xf32, #tpu.memory_space<vmem>>) target(%dma_start3A_567 : memref<256x128xf32, #tpu.memory_space<hbm>>) target_semaphore(%arg8 : memref<!tpu.dma_semaphore, #tpu.memory_space<semaphore_mem>>)
      %dma_start3A_571 = arith.constant 32 : i32
      %dma_start3A_572 = arith.constant 0 : i32
      %dma_start3A_573 = tpu.memref_slice %arg4[%dma_start3A_571, %dma_start3A_572] : memref<376x128xf32, #tpu.memory_space<vmem>> -> memref<256x128xf32, #tpu.memory_space<vmem>>
      %dma_start3A_574 = tpu.memref_slice %arg3[%add3A_443, %mul3A_401, %multiple_of3A_419] : memref<512x512x768xf32, #tpu.memory_space<hbm>> -> memref<1x256x128xf32, #tpu.memory_space<hbm>>
      %dma_start3A_575 = tpu.memref_squeeze %dma_start3A_574 : memref<1x256x128xf32, #tpu.memory_space<hbm>> -> memref<256x128xf32, #tpu.memory_space<hbm>>
      %dma_start3A_576 = tpu.memref_slice %arg3[%add3A_443, %mul3A_401, %multiple_of3A_419] : memref<512x512x768xf32, #tpu.memory_space<hbm>> -> memref<1x256x128xf32, #tpu.memory_space<hbm>>
      %dma_start3A_577 = tpu.memref_squeeze %dma_start3A_576 : memref<1x256x128xf32, #tpu.memory_space<hbm>> -> memref<256x128xf32, #tpu.memory_space<hbm>>
      %dma_start3A_578 = arith.constant 32 : i32
      %dma_start3A_579 = arith.constant 0 : i32
      %dma_start3A_580 = tpu.memref_slice %arg4[%dma_start3A_578, %dma_start3A_579] : memref<376x128xf32, #tpu.memory_space<vmem>> -> memref<256x128xf32, #tpu.memory_space<vmem>>
      tpu.enqueue_dma source(%dma_start3A_580 : memref<256x128xf32, #tpu.memory_space<vmem>>) target(%dma_start3A_577 : memref<256x128xf32, #tpu.memory_space<hbm>>) target_semaphore(%arg8 : memref<!tpu.dma_semaphore, #tpu.memory_space<semaphore_mem>>)
      %dma_start3A_581 = arith.constant 24 : i32
      %dma_start3A_582 = arith.constant 0 : i32
      %dma_start3A_583 = tpu.memref_slice %arg4[%dma_start3A_581, %dma_start3A_582] : memref<376x128xf32, #tpu.memory_space<vmem>> -> memref<256x128xf32, #tpu.memory_space<vmem>>
      %dma_start3A_584 = tpu.memref_slice %arg3[%add3A_445, %mul3A_401, %multiple_of3A_419] : memref<512x512x768xf32, #tpu.memory_space<hbm>> -> memref<1x256x128xf32, #tpu.memory_space<hbm>>
      %dma_start3A_585 = tpu.memref_squeeze %dma_start3A_584 : memref<1x256x128xf32, #tpu.memory_space<hbm>> -> memref<256x128xf32, #tpu.memory_space<hbm>>
      %dma_start3A_586 = tpu.memref_slice %arg3[%add3A_445, %mul3A_401, %multiple_of3A_419] : memref<512x512x768xf32, #tpu.memory_space<hbm>> -> memref<1x256x128xf32, #tpu.memory_space<hbm>>
      %dma_start3A_587 = tpu.memref_squeeze %dma_start3A_586 : memref<1x256x128xf32, #tpu.memory_space<hbm>> -> memref<256x128xf32, #tpu.memory_space<hbm>>
      %dma_start3A_588 = arith.constant 24 : i32
      %dma_start3A_589 = arith.constant 0 : i32
      %dma_start3A_590 = tpu.memref_slice %arg4[%dma_start3A_588, %dma_start3A_589] : memref<376x128xf32, #tpu.memory_space<vmem>> -> memref<256x128xf32, #tpu.memory_space<vmem>>
      tpu.enqueue_dma source(%dma_start3A_590 : memref<256x128xf32, #tpu.memory_space<vmem>>) target(%dma_start3A_587 : memref<256x128xf32, #tpu.memory_space<hbm>>) target_semaphore(%arg8 : memref<!tpu.dma_semaphore, #tpu.memory_space<semaphore_mem>>)
      %dma_start3A_591 = arith.constant 16 : i32
      %dma_start3A_592 = arith.constant 0 : i32
      %dma_start3A_593 = tpu.memref_slice %arg4[%dma_start3A_591, %dma_start3A_592] : memref<376x128xf32, #tpu.memory_space<vmem>> -> memref<256x128xf32, #tpu.memory_space<vmem>>
      %dma_start3A_594 = tpu.memref_slice %arg3[%add3A_447, %mul3A_401, %multiple_of3A_419] : memref<512x512x768xf32, #tpu.memory_space<hbm>> -> memref<1x256x128xf32, #tpu.memory_space<hbm>>
      %dma_start3A_595 = tpu.memref_squeeze %dma_start3A_594 : memref<1x256x128xf32, #tpu.memory_space<hbm>> -> memref<256x128xf32, #tpu.memory_space<hbm>>
      %dma_start3A_596 = tpu.memref_slice %arg3[%add3A_447, %mul3A_401, %multiple_of3A_419] : memref<512x512x768xf32, #tpu.memory_space<hbm>> -> memref<1x256x128xf32, #tpu.memory_space<hbm>>
      %dma_start3A_597 = tpu.memref_squeeze %dma_start3A_596 : memref<1x256x128xf32, #tpu.memory_space<hbm>> -> memref<256x128xf32, #tpu.memory_space<hbm>>
      %dma_start3A_598 = arith.constant 16 : i32
      %dma_start3A_599 = arith.constant 0 : i32
      %dma_start3A_600 = tpu.memref_slice %arg4[%dma_start3A_598, %dma_start3A_599] : memref<376x128xf32, #tpu.memory_space<vmem>> -> memref<256x128xf32, #tpu.memory_space<vmem>>
      tpu.enqueue_dma source(%dma_start3A_600 : memref<256x128xf32, #tpu.memory_space<vmem>>) target(%dma_start3A_597 : memref<256x128xf32, #tpu.memory_space<hbm>>) target_semaphore(%arg8 : memref<!tpu.dma_semaphore, #tpu.memory_space<semaphore_mem>>)
      %dma_start3A_601 = arith.constant 8 : i32
      %dma_start3A_602 = arith.constant 0 : i32
      %dma_start3A_603 = tpu.memref_slice %arg4[%dma_start3A_601, %dma_start3A_602] : memref<376x128xf32, #tpu.memory_space<vmem>> -> memref<256x128xf32, #tpu.memory_space<vmem>>
      %dma_start3A_604 = tpu.memref_slice %arg3[%add3A_449, %mul3A_401, %multiple_of3A_419] : memref<512x512x768xf32, #tpu.memory_space<hbm>> -> memref<1x256x128xf32, #tpu.memory_space<hbm>>
      %dma_start3A_605 = tpu.memref_squeeze %dma_start3A_604 : memref<1x256x128xf32, #tpu.memory_space<hbm>> -> memref<256x128xf32, #tpu.memory_space<hbm>>
      %dma_start3A_606 = tpu.memref_slice %arg3[%add3A_449, %mul3A_401, %multiple_of3A_419] : memref<512x512x768xf32, #tpu.memory_space<hbm>> -> memref<1x256x128xf32, #tpu.memory_space<hbm>>
      %dma_start3A_607 = tpu.memref_squeeze %dma_start3A_606 : memref<1x256x128xf32, #tpu.memory_space<hbm>> -> memref<256x128xf32, #tpu.memory_space<hbm>>
      %dma_start3A_608 = arith.constant 8 : i32
      %dma_start3A_609 = arith.constant 0 : i32
      %dma_start3A_610 = tpu.memref_slice %arg4[%dma_start3A_608, %dma_start3A_609] : memref<376x128xf32, #tpu.memory_space<vmem>> -> memref<256x128xf32, #tpu.memory_space<vmem>>
      tpu.enqueue_dma source(%dma_start3A_610 : memref<256x128xf32, #tpu.memory_space<vmem>>) target(%dma_start3A_607 : memref<256x128xf32, #tpu.memory_space<hbm>>) target_semaphore(%arg8 : memref<!tpu.dma_semaphore, #tpu.memory_space<semaphore_mem>>)
      %dma_start3A_611 = arith.constant 0 : i32
      %dma_start3A_612 = arith.constant 0 : i32
      %dma_start3A_613 = tpu.memref_slice %arg4[%dma_start3A_611, %dma_start3A_612] : memref<376x128xf32, #tpu.memory_space<vmem>> -> memref<256x128xf32, #tpu.memory_space<vmem>>
      %dma_start3A_614 = tpu.memref_slice %arg3[%add3A_451, %mul3A_401, %multiple_of3A_419] : memref<512x512x768xf32, #tpu.memory_space<hbm>> -> memref<1x256x128xf32, #tpu.memory_space<hbm>>
      %dma_start3A_615 = tpu.memref_squeeze %dma_start3A_614 : memref<1x256x128xf32, #tpu.memory_space<hbm>> -> memref<256x128xf32, #tpu.memory_space<hbm>>
      %dma_start3A_616 = tpu.memref_slice %arg3[%add3A_451, %mul3A_401, %multiple_of3A_419] : memref<512x512x768xf32, #tpu.memory_space<hbm>> -> memref<1x256x128xf32, #tpu.memory_space<hbm>>
      %dma_start3A_617 = tpu.memref_squeeze %dma_start3A_616 : memref<1x256x128xf32, #tpu.memory_space<hbm>> -> memref<256x128xf32, #tpu.memory_space<hbm>>
      %dma_start3A_618 = arith.constant 0 : i32
      %dma_start3A_619 = arith.constant 0 : i32
      %dma_start3A_620 = tpu.memref_slice %arg4[%dma_start3A_618, %dma_start3A_619] : memref<376x128xf32, #tpu.memory_space<vmem>> -> memref<256x128xf32, #tpu.memory_space<vmem>>
      tpu.enqueue_dma source(%dma_start3A_620 : memref<256x128xf32, #tpu.memory_space<vmem>>) target(%dma_start3A_617 : memref<256x128xf32, #tpu.memory_space<hbm>>) target_semaphore(%arg8 : memref<!tpu.dma_semaphore, #tpu.memory_space<semaphore_mem>>)
      %mul3A_621 = arith.constant 2 : i32
      %mul3A_622 = arith.muli %mul3A_621, %scan3A_389 : i32
      %add3A_623 = arith.constant 1 : i32
      %add3A_624 = arith.addi %mul3A_622, %add3A_623 : i32
      %div3A_625 = arith.constant 12 : i32
      %div3A_626 = arith.divsi %add3A_624, %div3A_625 : i32
      %rem3A_627 = arith.constant 12 : i32
      %rem3A_628 = arith.remsi %add3A_624, %rem3A_627 : i32
      %div3A_629 = arith.constant 6 : i32
      %div3A_630 = arith.divsi %rem3A_628, %div3A_629 : i32
      %mul3A_631 = arith.constant 256 : i32
      %mul3A_632 = arith.muli %div3A_630, %mul3A_631 : i32
      %rem3A_633 = arith.constant 6 : i32
      %rem3A_634 = arith.remsi %rem3A_628, %rem3A_633 : i32
      %mul3A_635 = arith.constant 128 : i32
      %mul3A_636 = arith.muli %rem3A_634, %mul3A_635 : i32
      %add3A_637 = arith.addi %mul3A_3, %mul3A_6 : i32
      %add3A_638 = arith.addi %add3A_637, %div3A_626 : i32
      %sub3A_639 = arith.constant 2047 : i32
      %sub3A_640 = arith.subi %sub3A_639, %add3A_638 : i32
      %rem3A_641 = arith.constant 8 : i32
      %rem3A_642 = arith.remsi %sub3A_640, %rem3A_641 : i32
      %sub3A_643 = arith.subi %sub3A_640, %rem3A_642 : i32
      %sub3A_644 = arith.constant 1416 : i32
      %sub3A_645 = arith.subi %sub3A_643, %sub3A_644 : i32
      %add3A_646 = arith.addi %sub3A_645, %mul3A_632 : i32
      %sub3A_647 = arith.constant 120 : i32
      %sub3A_648 = arith.subi %add3A_646, %sub3A_647 : i32
      %multiple_of3A_649 = tpu.assume_multiple %sub3A_648, 8 : i32
      %multiple_of3A_650 = tpu.assume_multiple %mul3A_636, 128 : i32
      %add3A_651 = arith.constant 0 : i32
      %add3A_652 = arith.addi %add3A_638, %add3A_651 : i32
      %add3A_653 = arith.constant 8 : i32
      %add3A_654 = arith.addi %add3A_638, %add3A_653 : i32
      %add3A_655 = arith.constant 16 : i32
      %add3A_656 = arith.addi %add3A_638, %add3A_655 : i32
      %add3A_657 = arith.constant 24 : i32
      %add3A_658 = arith.addi %add3A_638, %add3A_657 : i32
      %add3A_659 = arith.constant 32 : i32
      %add3A_660 = arith.addi %add3A_638, %add3A_659 : i32
      %add3A_661 = arith.constant 40 : i32
      %add3A_662 = arith.addi %add3A_638, %add3A_661 : i32
      %add3A_663 = arith.constant 48 : i32
      %add3A_664 = arith.addi %add3A_638, %add3A_663 : i32
      %add3A_665 = arith.constant 56 : i32
      %add3A_666 = arith.addi %add3A_638, %add3A_665 : i32
      %add3A_667 = arith.constant 64 : i32
      %add3A_668 = arith.addi %add3A_638, %add3A_667 : i32
      %add3A_669 = arith.constant 72 : i32
      %add3A_670 = arith.addi %add3A_638, %add3A_669 : i32
      %add3A_671 = arith.constant 80 : i32
      %add3A_672 = arith.addi %add3A_638, %add3A_671 : i32
      %add3A_673 = arith.constant 88 : i32
      %add3A_674 = arith.addi %add3A_638, %add3A_673 : i32
      %add3A_675 = arith.constant 96 : i32
      %add3A_676 = arith.addi %add3A_638, %add3A_675 : i32
      %add3A_677 = arith.constant 104 : i32
      %add3A_678 = arith.addi %add3A_638, %add3A_677 : i32
      %add3A_679 = arith.constant 112 : i32
      %add3A_680 = arith.addi %add3A_638, %add3A_679 : i32
      %add3A_681 = arith.constant 120 : i32
      %add3A_682 = arith.addi %add3A_638, %add3A_681 : i32
      %ge3A_683 = arith.constant 1 : i32
      %ge3A_684 = arith.cmpi sge, %scan3A_389, %ge3A_683 : i32
      %convert_element_type3A_685 = arith.extui %ge3A_684 : i1 to i32
      %cond3A_686 = arith.constant 0 : i32
      %cond3A_687 = arith.cmpi ne, %convert_element_type3A_685, %cond3A_686 : i32
      scf.if %cond3A_687 {
        %dma_wait3A_856 = arith.constant 0 : i32
        %dma_wait3A_857 = arith.constant 0 : i32
        %dma_wait3A_858 = tpu.memref_slice %arg5[%dma_wait3A_856, %dma_wait3A_857] : memref<376x128xf32, #tpu.memory_space<vmem>> -> memref<256x128xf32, #tpu.memory_space<vmem>>
        %dma_wait3A_859 = tpu.memref_slice %arg2[%rem3A_642, %multiple_of3A_649, %multiple_of3A_650] : memref<8x1144x768xf32, #tpu.memory_space<hbm>> -> memref<1x376x128xf32, #tpu.memory_space<hbm>>
        %dma_wait3A_860 = tpu.memref_squeeze %dma_wait3A_859 : memref<1x376x128xf32, #tpu.memory_space<hbm>> -> memref<376x128xf32, #tpu.memory_space<hbm>>
        %dma_wait3A_861 = arith.constant 0 : i32
        %dma_wait3A_862 = arith.constant 0 : i32
        %dma_wait3A_863 = tpu.memref_slice %arg5[%dma_wait3A_861, %dma_wait3A_862] : memref<376x128xf32, #tpu.memory_space<vmem>> -> memref<256x128xf32, #tpu.memory_space<vmem>>
        %dma_wait3A_864 = tpu.memref_slice %arg2[%rem3A_642, %multiple_of3A_649, %multiple_of3A_650] : memref<8x1144x768xf32, #tpu.memory_space<hbm>> -> memref<1x376x128xf32, #tpu.memory_space<hbm>>
        %dma_wait3A_865 = tpu.memref_squeeze %dma_wait3A_864 : memref<1x376x128xf32, #tpu.memory_space<hbm>> -> memref<376x128xf32, #tpu.memory_space<hbm>>
        tpu.wait_dma2 semaphore(%arg9 : memref<!tpu.dma_semaphore, #tpu.memory_space<semaphore_mem>>) src(%dma_wait3A_865 : memref<376x128xf32, #tpu.memory_space<hbm>>) dst(%dma_wait3A_863 : memref<256x128xf32, #tpu.memory_space<vmem>>)
        %dma_wait3A_866 = arith.constant 0 : i32
        %dma_wait3A_867 = arith.constant 0 : i32
        %dma_wait3A_868 = tpu.memref_slice %arg5[%dma_wait3A_866, %dma_wait3A_867] : memref<376x128xf32, #tpu.memory_space<vmem>> -> memref<256x128xf32, #tpu.memory_space<vmem>>
        %dma_wait3A_869 = tpu.memref_slice %arg2[%rem3A_642, %multiple_of3A_649, %multiple_of3A_650] : memref<8x1144x768xf32, #tpu.memory_space<hbm>> -> memref<1x376x128xf32, #tpu.memory_space<hbm>>
        %dma_wait3A_870 = tpu.memref_squeeze %dma_wait3A_869 : memref<1x376x128xf32, #tpu.memory_space<hbm>> -> memref<376x128xf32, #tpu.memory_space<hbm>>
        %dma_wait3A_871 = arith.constant 0 : i32
        %dma_wait3A_872 = arith.constant 0 : i32
        %dma_wait3A_873 = tpu.memref_slice %arg5[%dma_wait3A_871, %dma_wait3A_872] : memref<376x128xf32, #tpu.memory_space<vmem>> -> memref<256x128xf32, #tpu.memory_space<vmem>>
        %dma_wait3A_874 = tpu.memref_slice %arg2[%rem3A_642, %multiple_of3A_649, %multiple_of3A_650] : memref<8x1144x768xf32, #tpu.memory_space<hbm>> -> memref<1x376x128xf32, #tpu.memory_space<hbm>>
        %dma_wait3A_875 = tpu.memref_squeeze %dma_wait3A_874 : memref<1x376x128xf32, #tpu.memory_space<hbm>> -> memref<376x128xf32, #tpu.memory_space<hbm>>
        tpu.wait_dma2 semaphore(%arg9 : memref<!tpu.dma_semaphore, #tpu.memory_space<semaphore_mem>>) src(%dma_wait3A_875 : memref<376x128xf32, #tpu.memory_space<hbm>>) dst(%dma_wait3A_873 : memref<256x128xf32, #tpu.memory_space<vmem>>)
        %dma_wait3A_876 = arith.constant 0 : i32
        %dma_wait3A_877 = arith.constant 0 : i32
        %dma_wait3A_878 = tpu.memref_slice %arg5[%dma_wait3A_876, %dma_wait3A_877] : memref<376x128xf32, #tpu.memory_space<vmem>> -> memref<256x128xf32, #tpu.memory_space<vmem>>
        %dma_wait3A_879 = tpu.memref_slice %arg2[%rem3A_642, %multiple_of3A_649, %multiple_of3A_650] : memref<8x1144x768xf32, #tpu.memory_space<hbm>> -> memref<1x376x128xf32, #tpu.memory_space<hbm>>
        %dma_wait3A_880 = tpu.memref_squeeze %dma_wait3A_879 : memref<1x376x128xf32, #tpu.memory_space<hbm>> -> memref<376x128xf32, #tpu.memory_space<hbm>>
        %dma_wait3A_881 = arith.constant 0 : i32
        %dma_wait3A_882 = arith.constant 0 : i32
        %dma_wait3A_883 = tpu.memref_slice %arg5[%dma_wait3A_881, %dma_wait3A_882] : memref<376x128xf32, #tpu.memory_space<vmem>> -> memref<256x128xf32, #tpu.memory_space<vmem>>
        %dma_wait3A_884 = tpu.memref_slice %arg2[%rem3A_642, %multiple_of3A_649, %multiple_of3A_650] : memref<8x1144x768xf32, #tpu.memory_space<hbm>> -> memref<1x376x128xf32, #tpu.memory_space<hbm>>
        %dma_wait3A_885 = tpu.memref_squeeze %dma_wait3A_884 : memref<1x376x128xf32, #tpu.memory_space<hbm>> -> memref<376x128xf32, #tpu.memory_space<hbm>>
        tpu.wait_dma2 semaphore(%arg9 : memref<!tpu.dma_semaphore, #tpu.memory_space<semaphore_mem>>) src(%dma_wait3A_885 : memref<376x128xf32, #tpu.memory_space<hbm>>) dst(%dma_wait3A_883 : memref<256x128xf32, #tpu.memory_space<vmem>>)
        %dma_wait3A_886 = arith.constant 0 : i32
        %dma_wait3A_887 = arith.constant 0 : i32
        %dma_wait3A_888 = tpu.memref_slice %arg5[%dma_wait3A_886, %dma_wait3A_887] : memref<376x128xf32, #tpu.memory_space<vmem>> -> memref<256x128xf32, #tpu.memory_space<vmem>>
        %dma_wait3A_889 = tpu.memref_slice %arg2[%rem3A_642, %multiple_of3A_649, %multiple_of3A_650] : memref<8x1144x768xf32, #tpu.memory_space<hbm>> -> memref<1x376x128xf32, #tpu.memory_space<hbm>>
        %dma_wait3A_890 = tpu.memref_squeeze %dma_wait3A_889 : memref<1x376x128xf32, #tpu.memory_space<hbm>> -> memref<376x128xf32, #tpu.memory_space<hbm>>
        %dma_wait3A_891 = arith.constant 0 : i32
        %dma_wait3A_892 = arith.constant 0 : i32
        %dma_wait3A_893 = tpu.memref_slice %arg5[%dma_wait3A_891, %dma_wait3A_892] : memref<376x128xf32, #tpu.memory_space<vmem>> -> memref<256x128xf32, #tpu.memory_space<vmem>>
        %dma_wait3A_894 = tpu.memref_slice %arg2[%rem3A_642, %multiple_of3A_649, %multiple_of3A_650] : memref<8x1144x768xf32, #tpu.memory_space<hbm>> -> memref<1x376x128xf32, #tpu.memory_space<hbm>>
        %dma_wait3A_895 = tpu.memref_squeeze %dma_wait3A_894 : memref<1x376x128xf32, #tpu.memory_space<hbm>> -> memref<376x128xf32, #tpu.memory_space<hbm>>
        tpu.wait_dma2 semaphore(%arg9 : memref<!tpu.dma_semaphore, #tpu.memory_space<semaphore_mem>>) src(%dma_wait3A_895 : memref<376x128xf32, #tpu.memory_space<hbm>>) dst(%dma_wait3A_893 : memref<256x128xf32, #tpu.memory_space<vmem>>)
        %dma_wait3A_896 = arith.constant 0 : i32
        %dma_wait3A_897 = arith.constant 0 : i32
        %dma_wait3A_898 = tpu.memref_slice %arg5[%dma_wait3A_896, %dma_wait3A_897] : memref<376x128xf32, #tpu.memory_space<vmem>> -> memref<256x128xf32, #tpu.memory_space<vmem>>
        %dma_wait3A_899 = tpu.memref_slice %arg2[%rem3A_642, %multiple_of3A_649, %multiple_of3A_650] : memref<8x1144x768xf32, #tpu.memory_space<hbm>> -> memref<1x376x128xf32, #tpu.memory_space<hbm>>
        %dma_wait3A_900 = tpu.memref_squeeze %dma_wait3A_899 : memref<1x376x128xf32, #tpu.memory_space<hbm>> -> memref<376x128xf32, #tpu.memory_space<hbm>>
        %dma_wait3A_901 = arith.constant 0 : i32
        %dma_wait3A_902 = arith.constant 0 : i32
        %dma_wait3A_903 = tpu.memref_slice %arg5[%dma_wait3A_901, %dma_wait3A_902] : memref<376x128xf32, #tpu.memory_space<vmem>> -> memref<256x128xf32, #tpu.memory_space<vmem>>
        %dma_wait3A_904 = tpu.memref_slice %arg2[%rem3A_642, %multiple_of3A_649, %multiple_of3A_650] : memref<8x1144x768xf32, #tpu.memory_space<hbm>> -> memref<1x376x128xf32, #tpu.memory_space<hbm>>
        %dma_wait3A_905 = tpu.memref_squeeze %dma_wait3A_904 : memref<1x376x128xf32, #tpu.memory_space<hbm>> -> memref<376x128xf32, #tpu.memory_space<hbm>>
        tpu.wait_dma2 semaphore(%arg9 : memref<!tpu.dma_semaphore, #tpu.memory_space<semaphore_mem>>) src(%dma_wait3A_905 : memref<376x128xf32, #tpu.memory_space<hbm>>) dst(%dma_wait3A_903 : memref<256x128xf32, #tpu.memory_space<vmem>>)
        %dma_wait3A_906 = arith.constant 0 : i32
        %dma_wait3A_907 = arith.constant 0 : i32
        %dma_wait3A_908 = tpu.memref_slice %arg5[%dma_wait3A_906, %dma_wait3A_907] : memref<376x128xf32, #tpu.memory_space<vmem>> -> memref<256x128xf32, #tpu.memory_space<vmem>>
        %dma_wait3A_909 = tpu.memref_slice %arg2[%rem3A_642, %multiple_of3A_649, %multiple_of3A_650] : memref<8x1144x768xf32, #tpu.memory_space<hbm>> -> memref<1x376x128xf32, #tpu.memory_space<hbm>>
        %dma_wait3A_910 = tpu.memref_squeeze %dma_wait3A_909 : memref<1x376x128xf32, #tpu.memory_space<hbm>> -> memref<376x128xf32, #tpu.memory_space<hbm>>
        %dma_wait3A_911 = arith.constant 0 : i32
        %dma_wait3A_912 = arith.constant 0 : i32
        %dma_wait3A_913 = tpu.memref_slice %arg5[%dma_wait3A_911, %dma_wait3A_912] : memref<376x128xf32, #tpu.memory_space<vmem>> -> memref<256x128xf32, #tpu.memory_space<vmem>>
        %dma_wait3A_914 = tpu.memref_slice %arg2[%rem3A_642, %multiple_of3A_649, %multiple_of3A_650] : memref<8x1144x768xf32, #tpu.memory_space<hbm>> -> memref<1x376x128xf32, #tpu.memory_space<hbm>>
        %dma_wait3A_915 = tpu.memref_squeeze %dma_wait3A_914 : memref<1x376x128xf32, #tpu.memory_space<hbm>> -> memref<376x128xf32, #tpu.memory_space<hbm>>
        tpu.wait_dma2 semaphore(%arg9 : memref<!tpu.dma_semaphore, #tpu.memory_space<semaphore_mem>>) src(%dma_wait3A_915 : memref<376x128xf32, #tpu.memory_space<hbm>>) dst(%dma_wait3A_913 : memref<256x128xf32, #tpu.memory_space<vmem>>)
        %dma_wait3A_916 = arith.constant 0 : i32
        %dma_wait3A_917 = arith.constant 0 : i32
        %dma_wait3A_918 = tpu.memref_slice %arg5[%dma_wait3A_916, %dma_wait3A_917] : memref<376x128xf32, #tpu.memory_space<vmem>> -> memref<256x128xf32, #tpu.memory_space<vmem>>
        %dma_wait3A_919 = tpu.memref_slice %arg2[%rem3A_642, %multiple_of3A_649, %multiple_of3A_650] : memref<8x1144x768xf32, #tpu.memory_space<hbm>> -> memref<1x376x128xf32, #tpu.memory_space<hbm>>
        %dma_wait3A_920 = tpu.memref_squeeze %dma_wait3A_919 : memref<1x376x128xf32, #tpu.memory_space<hbm>> -> memref<376x128xf32, #tpu.memory_space<hbm>>
        %dma_wait3A_921 = arith.constant 0 : i32
        %dma_wait3A_922 = arith.constant 0 : i32
        %dma_wait3A_923 = tpu.memref_slice %arg5[%dma_wait3A_921, %dma_wait3A_922] : memref<376x128xf32, #tpu.memory_space<vmem>> -> memref<256x128xf32, #tpu.memory_space<vmem>>
        %dma_wait3A_924 = tpu.memref_slice %arg2[%rem3A_642, %multiple_of3A_649, %multiple_of3A_650] : memref<8x1144x768xf32, #tpu.memory_space<hbm>> -> memref<1x376x128xf32, #tpu.memory_space<hbm>>
        %dma_wait3A_925 = tpu.memref_squeeze %dma_wait3A_924 : memref<1x376x128xf32, #tpu.memory_space<hbm>> -> memref<376x128xf32, #tpu.memory_space<hbm>>
        tpu.wait_dma2 semaphore(%arg9 : memref<!tpu.dma_semaphore, #tpu.memory_space<semaphore_mem>>) src(%dma_wait3A_925 : memref<376x128xf32, #tpu.memory_space<hbm>>) dst(%dma_wait3A_923 : memref<256x128xf32, #tpu.memory_space<vmem>>)
        %dma_wait3A_926 = arith.constant 0 : i32
        %dma_wait3A_927 = arith.constant 0 : i32
        %dma_wait3A_928 = tpu.memref_slice %arg5[%dma_wait3A_926, %dma_wait3A_927] : memref<376x128xf32, #tpu.memory_space<vmem>> -> memref<256x128xf32, #tpu.memory_space<vmem>>
        %dma_wait3A_929 = tpu.memref_slice %arg2[%rem3A_642, %multiple_of3A_649, %multiple_of3A_650] : memref<8x1144x768xf32, #tpu.memory_space<hbm>> -> memref<1x376x128xf32, #tpu.memory_space<hbm>>
        %dma_wait3A_930 = tpu.memref_squeeze %dma_wait3A_929 : memref<1x376x128xf32, #tpu.memory_space<hbm>> -> memref<376x128xf32, #tpu.memory_space<hbm>>
        %dma_wait3A_931 = arith.constant 0 : i32
        %dma_wait3A_932 = arith.constant 0 : i32
        %dma_wait3A_933 = tpu.memref_slice %arg5[%dma_wait3A_931, %dma_wait3A_932] : memref<376x128xf32, #tpu.memory_space<vmem>> -> memref<256x128xf32, #tpu.memory_space<vmem>>
        %dma_wait3A_934 = tpu.memref_slice %arg2[%rem3A_642, %multiple_of3A_649, %multiple_of3A_650] : memref<8x1144x768xf32, #tpu.memory_space<hbm>> -> memref<1x376x128xf32, #tpu.memory_space<hbm>>
        %dma_wait3A_935 = tpu.memref_squeeze %dma_wait3A_934 : memref<1x376x128xf32, #tpu.memory_space<hbm>> -> memref<376x128xf32, #tpu.memory_space<hbm>>
        tpu.wait_dma2 semaphore(%arg9 : memref<!tpu.dma_semaphore, #tpu.memory_space<semaphore_mem>>) src(%dma_wait3A_935 : memref<376x128xf32, #tpu.memory_space<hbm>>) dst(%dma_wait3A_933 : memref<256x128xf32, #tpu.memory_space<vmem>>)
        %dma_wait3A_936 = arith.constant 0 : i32
        %dma_wait3A_937 = arith.constant 0 : i32
        %dma_wait3A_938 = tpu.memref_slice %arg5[%dma_wait3A_936, %dma_wait3A_937] : memref<376x128xf32, #tpu.memory_space<vmem>> -> memref<256x128xf32, #tpu.memory_space<vmem>>
        %dma_wait3A_939 = tpu.memref_slice %arg2[%rem3A_642, %multiple_of3A_649, %multiple_of3A_650] : memref<8x1144x768xf32, #tpu.memory_space<hbm>> -> memref<1x376x128xf32, #tpu.memory_space<hbm>>
        %dma_wait3A_940 = tpu.memref_squeeze %dma_wait3A_939 : memref<1x376x128xf32, #tpu.memory_space<hbm>> -> memref<376x128xf32, #tpu.memory_space<hbm>>
        %dma_wait3A_941 = arith.constant 0 : i32
        %dma_wait3A_942 = arith.constant 0 : i32
        %dma_wait3A_943 = tpu.memref_slice %arg5[%dma_wait3A_941, %dma_wait3A_942] : memref<376x128xf32, #tpu.memory_space<vmem>> -> memref<256x128xf32, #tpu.memory_space<vmem>>
        %dma_wait3A_944 = tpu.memref_slice %arg2[%rem3A_642, %multiple_of3A_649, %multiple_of3A_650] : memref<8x1144x768xf32, #tpu.memory_space<hbm>> -> memref<1x376x128xf32, #tpu.memory_space<hbm>>
        %dma_wait3A_945 = tpu.memref_squeeze %dma_wait3A_944 : memref<1x376x128xf32, #tpu.memory_space<hbm>> -> memref<376x128xf32, #tpu.memory_space<hbm>>
        tpu.wait_dma2 semaphore(%arg9 : memref<!tpu.dma_semaphore, #tpu.memory_space<semaphore_mem>>) src(%dma_wait3A_945 : memref<376x128xf32, #tpu.memory_space<hbm>>) dst(%dma_wait3A_943 : memref<256x128xf32, #tpu.memory_space<vmem>>)
        %dma_wait3A_946 = arith.constant 0 : i32
        %dma_wait3A_947 = arith.constant 0 : i32
        %dma_wait3A_948 = tpu.memref_slice %arg5[%dma_wait3A_946, %dma_wait3A_947] : memref<376x128xf32, #tpu.memory_space<vmem>> -> memref<256x128xf32, #tpu.memory_space<vmem>>
        %dma_wait3A_949 = tpu.memref_slice %arg2[%rem3A_642, %multiple_of3A_649, %multiple_of3A_650] : memref<8x1144x768xf32, #tpu.memory_space<hbm>> -> memref<1x376x128xf32, #tpu.memory_space<hbm>>
        %dma_wait3A_950 = tpu.memref_squeeze %dma_wait3A_949 : memref<1x376x128xf32, #tpu.memory_space<hbm>> -> memref<376x128xf32, #tpu.memory_space<hbm>>
        %dma_wait3A_951 = arith.constant 0 : i32
        %dma_wait3A_952 = arith.constant 0 : i32
        %dma_wait3A_953 = tpu.memref_slice %arg5[%dma_wait3A_951, %dma_wait3A_952] : memref<376x128xf32, #tpu.memory_space<vmem>> -> memref<256x128xf32, #tpu.memory_space<vmem>>
        %dma_wait3A_954 = tpu.memref_slice %arg2[%rem3A_642, %multiple_of3A_649, %multiple_of3A_650] : memref<8x1144x768xf32, #tpu.memory_space<hbm>> -> memref<1x376x128xf32, #tpu.memory_space<hbm>>
        %dma_wait3A_955 = tpu.memref_squeeze %dma_wait3A_954 : memref<1x376x128xf32, #tpu.memory_space<hbm>> -> memref<376x128xf32, #tpu.memory_space<hbm>>
        tpu.wait_dma2 semaphore(%arg9 : memref<!tpu.dma_semaphore, #tpu.memory_space<semaphore_mem>>) src(%dma_wait3A_955 : memref<376x128xf32, #tpu.memory_space<hbm>>) dst(%dma_wait3A_953 : memref<256x128xf32, #tpu.memory_space<vmem>>)
        %dma_wait3A_956 = arith.constant 0 : i32
        %dma_wait3A_957 = arith.constant 0 : i32
        %dma_wait3A_958 = tpu.memref_slice %arg5[%dma_wait3A_956, %dma_wait3A_957] : memref<376x128xf32, #tpu.memory_space<vmem>> -> memref<256x128xf32, #tpu.memory_space<vmem>>
        %dma_wait3A_959 = tpu.memref_slice %arg2[%rem3A_642, %multiple_of3A_649, %multiple_of3A_650] : memref<8x1144x768xf32, #tpu.memory_space<hbm>> -> memref<1x376x128xf32, #tpu.memory_space<hbm>>
        %dma_wait3A_960 = tpu.memref_squeeze %dma_wait3A_959 : memref<1x376x128xf32, #tpu.memory_space<hbm>> -> memref<376x128xf32, #tpu.memory_space<hbm>>
        %dma_wait3A_961 = arith.constant 0 : i32
        %dma_wait3A_962 = arith.constant 0 : i32
        %dma_wait3A_963 = tpu.memref_slice %arg5[%dma_wait3A_961, %dma_wait3A_962] : memref<376x128xf32, #tpu.memory_space<vmem>> -> memref<256x128xf32, #tpu.memory_space<vmem>>
        %dma_wait3A_964 = tpu.memref_slice %arg2[%rem3A_642, %multiple_of3A_649, %multiple_of3A_650] : memref<8x1144x768xf32, #tpu.memory_space<hbm>> -> memref<1x376x128xf32, #tpu.memory_space<hbm>>
        %dma_wait3A_965 = tpu.memref_squeeze %dma_wait3A_964 : memref<1x376x128xf32, #tpu.memory_space<hbm>> -> memref<376x128xf32, #tpu.memory_space<hbm>>
        tpu.wait_dma2 semaphore(%arg9 : memref<!tpu.dma_semaphore, #tpu.memory_space<semaphore_mem>>) src(%dma_wait3A_965 : memref<376x128xf32, #tpu.memory_space<hbm>>) dst(%dma_wait3A_963 : memref<256x128xf32, #tpu.memory_space<vmem>>)
        %dma_wait3A_966 = arith.constant 0 : i32
        %dma_wait3A_967 = arith.constant 0 : i32
        %dma_wait3A_968 = tpu.memref_slice %arg5[%dma_wait3A_966, %dma_wait3A_967] : memref<376x128xf32, #tpu.memory_space<vmem>> -> memref<256x128xf32, #tpu.memory_space<vmem>>
        %dma_wait3A_969 = tpu.memref_slice %arg2[%rem3A_642, %multiple_of3A_649, %multiple_of3A_650] : memref<8x1144x768xf32, #tpu.memory_space<hbm>> -> memref<1x376x128xf32, #tpu.memory_space<hbm>>
        %dma_wait3A_970 = tpu.memref_squeeze %dma_wait3A_969 : memref<1x376x128xf32, #tpu.memory_space<hbm>> -> memref<376x128xf32, #tpu.memory_space<hbm>>
        %dma_wait3A_971 = arith.constant 0 : i32
        %dma_wait3A_972 = arith.constant 0 : i32
        %dma_wait3A_973 = tpu.memref_slice %arg5[%dma_wait3A_971, %dma_wait3A_972] : memref<376x128xf32, #tpu.memory_space<vmem>> -> memref<256x128xf32, #tpu.memory_space<vmem>>
        %dma_wait3A_974 = tpu.memref_slice %arg2[%rem3A_642, %multiple_of3A_649, %multiple_of3A_650] : memref<8x1144x768xf32, #tpu.memory_space<hbm>> -> memref<1x376x128xf32, #tpu.memory_space<hbm>>
        %dma_wait3A_975 = tpu.memref_squeeze %dma_wait3A_974 : memref<1x376x128xf32, #tpu.memory_space<hbm>> -> memref<376x128xf32, #tpu.memory_space<hbm>>
        tpu.wait_dma2 semaphore(%arg9 : memref<!tpu.dma_semaphore, #tpu.memory_space<semaphore_mem>>) src(%dma_wait3A_975 : memref<376x128xf32, #tpu.memory_space<hbm>>) dst(%dma_wait3A_973 : memref<256x128xf32, #tpu.memory_space<vmem>>)
        %dma_wait3A_976 = arith.constant 0 : i32
        %dma_wait3A_977 = arith.constant 0 : i32
        %dma_wait3A_978 = tpu.memref_slice %arg5[%dma_wait3A_976, %dma_wait3A_977] : memref<376x128xf32, #tpu.memory_space<vmem>> -> memref<256x128xf32, #tpu.memory_space<vmem>>
        %dma_wait3A_979 = tpu.memref_slice %arg2[%rem3A_642, %multiple_of3A_649, %multiple_of3A_650] : memref<8x1144x768xf32, #tpu.memory_space<hbm>> -> memref<1x376x128xf32, #tpu.memory_space<hbm>>
        %dma_wait3A_980 = tpu.memref_squeeze %dma_wait3A_979 : memref<1x376x128xf32, #tpu.memory_space<hbm>> -> memref<376x128xf32, #tpu.memory_space<hbm>>
        %dma_wait3A_981 = arith.constant 0 : i32
        %dma_wait3A_982 = arith.constant 0 : i32
        %dma_wait3A_983 = tpu.memref_slice %arg5[%dma_wait3A_981, %dma_wait3A_982] : memref<376x128xf32, #tpu.memory_space<vmem>> -> memref<256x128xf32, #tpu.memory_space<vmem>>
        %dma_wait3A_984 = tpu.memref_slice %arg2[%rem3A_642, %multiple_of3A_649, %multiple_of3A_650] : memref<8x1144x768xf32, #tpu.memory_space<hbm>> -> memref<1x376x128xf32, #tpu.memory_space<hbm>>
        %dma_wait3A_985 = tpu.memref_squeeze %dma_wait3A_984 : memref<1x376x128xf32, #tpu.memory_space<hbm>> -> memref<376x128xf32, #tpu.memory_space<hbm>>
        tpu.wait_dma2 semaphore(%arg9 : memref<!tpu.dma_semaphore, #tpu.memory_space<semaphore_mem>>) src(%dma_wait3A_985 : memref<376x128xf32, #tpu.memory_space<hbm>>) dst(%dma_wait3A_983 : memref<256x128xf32, #tpu.memory_space<vmem>>)
        %dma_wait3A_986 = arith.constant 0 : i32
        %dma_wait3A_987 = arith.constant 0 : i32
        %dma_wait3A_988 = tpu.memref_slice %arg5[%dma_wait3A_986, %dma_wait3A_987] : memref<376x128xf32, #tpu.memory_space<vmem>> -> memref<256x128xf32, #tpu.memory_space<vmem>>
        %dma_wait3A_989 = tpu.memref_slice %arg2[%rem3A_642, %multiple_of3A_649, %multiple_of3A_650] : memref<8x1144x768xf32, #tpu.memory_space<hbm>> -> memref<1x376x128xf32, #tpu.memory_space<hbm>>
        %dma_wait3A_990 = tpu.memref_squeeze %dma_wait3A_989 : memref<1x376x128xf32, #tpu.memory_space<hbm>> -> memref<376x128xf32, #tpu.memory_space<hbm>>
        %dma_wait3A_991 = arith.constant 0 : i32
        %dma_wait3A_992 = arith.constant 0 : i32
        %dma_wait3A_993 = tpu.memref_slice %arg5[%dma_wait3A_991, %dma_wait3A_992] : memref<376x128xf32, #tpu.memory_space<vmem>> -> memref<256x128xf32, #tpu.memory_space<vmem>>
        %dma_wait3A_994 = tpu.memref_slice %arg2[%rem3A_642, %multiple_of3A_649, %multiple_of3A_650] : memref<8x1144x768xf32, #tpu.memory_space<hbm>> -> memref<1x376x128xf32, #tpu.memory_space<hbm>>
        %dma_wait3A_995 = tpu.memref_squeeze %dma_wait3A_994 : memref<1x376x128xf32, #tpu.memory_space<hbm>> -> memref<376x128xf32, #tpu.memory_space<hbm>>
        tpu.wait_dma2 semaphore(%arg9 : memref<!tpu.dma_semaphore, #tpu.memory_space<semaphore_mem>>) src(%dma_wait3A_995 : memref<376x128xf32, #tpu.memory_space<hbm>>) dst(%dma_wait3A_993 : memref<256x128xf32, #tpu.memory_space<vmem>>)
        %dma_wait3A_996 = arith.constant 0 : i32
        %dma_wait3A_997 = arith.constant 0 : i32
        %dma_wait3A_998 = tpu.memref_slice %arg5[%dma_wait3A_996, %dma_wait3A_997] : memref<376x128xf32, #tpu.memory_space<vmem>> -> memref<256x128xf32, #tpu.memory_space<vmem>>
        %dma_wait3A_999 = tpu.memref_slice %arg2[%rem3A_642, %multiple_of3A_649, %multiple_of3A_650] : memref<8x1144x768xf32, #tpu.memory_space<hbm>> -> memref<1x376x128xf32, #tpu.memory_space<hbm>>
        %dma_wait3A_1000 = tpu.memref_squeeze %dma_wait3A_999 : memref<1x376x128xf32, #tpu.memory_space<hbm>> -> memref<376x128xf32, #tpu.memory_space<hbm>>
        %dma_wait3A_1001 = arith.constant 0 : i32
        %dma_wait3A_1002 = arith.constant 0 : i32
        %dma_wait3A_1003 = tpu.memref_slice %arg5[%dma_wait3A_1001, %dma_wait3A_1002] : memref<376x128xf32, #tpu.memory_space<vmem>> -> memref<256x128xf32, #tpu.memory_space<vmem>>
        %dma_wait3A_1004 = tpu.memref_slice %arg2[%rem3A_642, %multiple_of3A_649, %multiple_of3A_650] : memref<8x1144x768xf32, #tpu.memory_space<hbm>> -> memref<1x376x128xf32, #tpu.memory_space<hbm>>
        %dma_wait3A_1005 = tpu.memref_squeeze %dma_wait3A_1004 : memref<1x376x128xf32, #tpu.memory_space<hbm>> -> memref<376x128xf32, #tpu.memory_space<hbm>>
        tpu.wait_dma2 semaphore(%arg9 : memref<!tpu.dma_semaphore, #tpu.memory_space<semaphore_mem>>) src(%dma_wait3A_1005 : memref<376x128xf32, #tpu.memory_space<hbm>>) dst(%dma_wait3A_1003 : memref<256x128xf32, #tpu.memory_space<vmem>>)
        %dma_wait3A_1006 = arith.constant 0 : i32
        %dma_wait3A_1007 = arith.constant 0 : i32
        %dma_wait3A_1008 = tpu.memref_slice %arg5[%dma_wait3A_1006, %dma_wait3A_1007] : memref<376x128xf32, #tpu.memory_space<vmem>> -> memref<256x128xf32, #tpu.memory_space<vmem>>
        %dma_wait3A_1009 = tpu.memref_slice %arg2[%rem3A_642, %multiple_of3A_649, %multiple_of3A_650] : memref<8x1144x768xf32, #tpu.memory_space<hbm>> -> memref<1x376x128xf32, #tpu.memory_space<hbm>>
        %dma_wait3A_1010 = tpu.memref_squeeze %dma_wait3A_1009 : memref<1x376x128xf32, #tpu.memory_space<hbm>> -> memref<376x128xf32, #tpu.memory_space<hbm>>
        %dma_wait3A_1011 = arith.constant 0 : i32
        %dma_wait3A_1012 = arith.constant 0 : i32
        %dma_wait3A_1013 = tpu.memref_slice %arg5[%dma_wait3A_1011, %dma_wait3A_1012] : memref<376x128xf32, #tpu.memory_space<vmem>> -> memref<256x128xf32, #tpu.memory_space<vmem>>
        %dma_wait3A_1014 = tpu.memref_slice %arg2[%rem3A_642, %multiple_of3A_649, %multiple_of3A_650] : memref<8x1144x768xf32, #tpu.memory_space<hbm>> -> memref<1x376x128xf32, #tpu.memory_space<hbm>>
        %dma_wait3A_1015 = tpu.memref_squeeze %dma_wait3A_1014 : memref<1x376x128xf32, #tpu.memory_space<hbm>> -> memref<376x128xf32, #tpu.memory_space<hbm>>
        tpu.wait_dma2 semaphore(%arg9 : memref<!tpu.dma_semaphore, #tpu.memory_space<semaphore_mem>>) src(%dma_wait3A_1015 : memref<376x128xf32, #tpu.memory_space<hbm>>) dst(%dma_wait3A_1013 : memref<256x128xf32, #tpu.memory_space<vmem>>)
      } else {
      }
      %dma_start3A_688 = tpu.memref_slice %arg2[%rem3A_642, %multiple_of3A_649, %multiple_of3A_650] : memref<8x1144x768xf32, #tpu.memory_space<hbm>> -> memref<1x376x128xf32, #tpu.memory_space<hbm>>
      %dma_start3A_689 = tpu.memref_squeeze %dma_start3A_688 : memref<1x376x128xf32, #tpu.memory_space<hbm>> -> memref<376x128xf32, #tpu.memory_space<hbm>>
      %dma_start3A_690 = tpu.memref_slice %arg2[%rem3A_642, %multiple_of3A_649, %multiple_of3A_650] : memref<8x1144x768xf32, #tpu.memory_space<hbm>> -> memref<1x376x128xf32, #tpu.memory_space<hbm>>
      %dma_start3A_691 = tpu.memref_squeeze %dma_start3A_690 : memref<1x376x128xf32, #tpu.memory_space<hbm>> -> memref<376x128xf32, #tpu.memory_space<hbm>>
      tpu.enqueue_dma source(%dma_start3A_691 : memref<376x128xf32, #tpu.memory_space<hbm>>) target(%arg5 : memref<376x128xf32, #tpu.memory_space<vmem>>) target_semaphore(%arg7 : memref<!tpu.dma_semaphore, #tpu.memory_space<semaphore_mem>>)
      %dma_wait3A_692 = tpu.memref_slice %arg2[%rem3A_642, %multiple_of3A_649, %multiple_of3A_650] : memref<8x1144x768xf32, #tpu.memory_space<hbm>> -> memref<1x376x128xf32, #tpu.memory_space<hbm>>
      %dma_wait3A_693 = tpu.memref_squeeze %dma_wait3A_692 : memref<1x376x128xf32, #tpu.memory_space<hbm>> -> memref<376x128xf32, #tpu.memory_space<hbm>>
      %dma_wait3A_694 = tpu.memref_slice %arg2[%rem3A_642, %multiple_of3A_649, %multiple_of3A_650] : memref<8x1144x768xf32, #tpu.memory_space<hbm>> -> memref<1x376x128xf32, #tpu.memory_space<hbm>>
      %dma_wait3A_695 = tpu.memref_squeeze %dma_wait3A_694 : memref<1x376x128xf32, #tpu.memory_space<hbm>> -> memref<376x128xf32, #tpu.memory_space<hbm>>
      tpu.wait_dma2 semaphore(%arg7 : memref<!tpu.dma_semaphore, #tpu.memory_space<semaphore_mem>>) src(%dma_wait3A_695 : memref<376x128xf32, #tpu.memory_space<hbm>>) dst(%arg5 : memref<376x128xf32, #tpu.memory_space<vmem>>)
      %dma_start3A_696 = arith.constant 120 : i32
      %dma_start3A_697 = arith.constant 0 : i32
      %dma_start3A_698 = tpu.memref_slice %arg5[%dma_start3A_696, %dma_start3A_697] : memref<376x128xf32, #tpu.memory_space<vmem>> -> memref<256x128xf32, #tpu.memory_space<vmem>>
      %dma_start3A_699 = tpu.memref_slice %arg3[%add3A_652, %mul3A_632, %multiple_of3A_650] : memref<512x512x768xf32, #tpu.memory_space<hbm>> -> memref<1x256x128xf32, #tpu.memory_space<hbm>>
      %dma_start3A_700 = tpu.memref_squeeze %dma_start3A_699 : memref<1x256x128xf32, #tpu.memory_space<hbm>> -> memref<256x128xf32, #tpu.memory_space<hbm>>
      %dma_start3A_701 = tpu.memref_slice %arg3[%add3A_652, %mul3A_632, %multiple_of3A_650] : memref<512x512x768xf32, #tpu.memory_space<hbm>> -> memref<1x256x128xf32, #tpu.memory_space<hbm>>
      %dma_start3A_702 = tpu.memref_squeeze %dma_start3A_701 : memref<1x256x128xf32, #tpu.memory_space<hbm>> -> memref<256x128xf32, #tpu.memory_space<hbm>>
      %dma_start3A_703 = arith.constant 120 : i32
      %dma_start3A_704 = arith.constant 0 : i32
      %dma_start3A_705 = tpu.memref_slice %arg5[%dma_start3A_703, %dma_start3A_704] : memref<376x128xf32, #tpu.memory_space<vmem>> -> memref<256x128xf32, #tpu.memory_space<vmem>>
      tpu.enqueue_dma source(%dma_start3A_705 : memref<256x128xf32, #tpu.memory_space<vmem>>) target(%dma_start3A_702 : memref<256x128xf32, #tpu.memory_space<hbm>>) target_semaphore(%arg9 : memref<!tpu.dma_semaphore, #tpu.memory_space<semaphore_mem>>)
      %dma_start3A_706 = arith.constant 112 : i32
      %dma_start3A_707 = arith.constant 0 : i32
      %dma_start3A_708 = tpu.memref_slice %arg5[%dma_start3A_706, %dma_start3A_707] : memref<376x128xf32, #tpu.memory_space<vmem>> -> memref<256x128xf32, #tpu.memory_space<vmem>>
      %dma_start3A_709 = tpu.memref_slice %arg3[%add3A_654, %mul3A_632, %multiple_of3A_650] : memref<512x512x768xf32, #tpu.memory_space<hbm>> -> memref<1x256x128xf32, #tpu.memory_space<hbm>>
      %dma_start3A_710 = tpu.memref_squeeze %dma_start3A_709 : memref<1x256x128xf32, #tpu.memory_space<hbm>> -> memref<256x128xf32, #tpu.memory_space<hbm>>
      %dma_start3A_711 = tpu.memref_slice %arg3[%add3A_654, %mul3A_632, %multiple_of3A_650] : memref<512x512x768xf32, #tpu.memory_space<hbm>> -> memref<1x256x128xf32, #tpu.memory_space<hbm>>
      %dma_start3A_712 = tpu.memref_squeeze %dma_start3A_711 : memref<1x256x128xf32, #tpu.memory_space<hbm>> -> memref<256x128xf32, #tpu.memory_space<hbm>>
      %dma_start3A_713 = arith.constant 112 : i32
      %dma_start3A_714 = arith.constant 0 : i32
      %dma_start3A_715 = tpu.memref_slice %arg5[%dma_start3A_713, %dma_start3A_714] : memref<376x128xf32, #tpu.memory_space<vmem>> -> memref<256x128xf32, #tpu.memory_space<vmem>>
      tpu.enqueue_dma source(%dma_start3A_715 : memref<256x128xf32, #tpu.memory_space<vmem>>) target(%dma_start3A_712 : memref<256x128xf32, #tpu.memory_space<hbm>>) target_semaphore(%arg9 : memref<!tpu.dma_semaphore, #tpu.memory_space<semaphore_mem>>)
      %dma_start3A_716 = arith.constant 104 : i32
      %dma_start3A_717 = arith.constant 0 : i32
      %dma_start3A_718 = tpu.memref_slice %arg5[%dma_start3A_716, %dma_start3A_717] : memref<376x128xf32, #tpu.memory_space<vmem>> -> memref<256x128xf32, #tpu.memory_space<vmem>>
      %dma_start3A_719 = tpu.memref_slice %arg3[%add3A_656, %mul3A_632, %multiple_of3A_650] : memref<512x512x768xf32, #tpu.memory_space<hbm>> -> memref<1x256x128xf32, #tpu.memory_space<hbm>>
      %dma_start3A_720 = tpu.memref_squeeze %dma_start3A_719 : memref<1x256x128xf32, #tpu.memory_space<hbm>> -> memref<256x128xf32, #tpu.memory_space<hbm>>
      %dma_start3A_721 = tpu.memref_slice %arg3[%add3A_656, %mul3A_632, %multiple_of3A_650] : memref<512x512x768xf32, #tpu.memory_space<hbm>> -> memref<1x256x128xf32, #tpu.memory_space<hbm>>
      %dma_start3A_722 = tpu.memref_squeeze %dma_start3A_721 : memref<1x256x128xf32, #tpu.memory_space<hbm>> -> memref<256x128xf32, #tpu.memory_space<hbm>>
      %dma_start3A_723 = arith.constant 104 : i32
      %dma_start3A_724 = arith.constant 0 : i32
      %dma_start3A_725 = tpu.memref_slice %arg5[%dma_start3A_723, %dma_start3A_724] : memref<376x128xf32, #tpu.memory_space<vmem>> -> memref<256x128xf32, #tpu.memory_space<vmem>>
      tpu.enqueue_dma source(%dma_start3A_725 : memref<256x128xf32, #tpu.memory_space<vmem>>) target(%dma_start3A_722 : memref<256x128xf32, #tpu.memory_space<hbm>>) target_semaphore(%arg9 : memref<!tpu.dma_semaphore, #tpu.memory_space<semaphore_mem>>)
      %dma_start3A_726 = arith.constant 96 : i32
      %dma_start3A_727 = arith.constant 0 : i32
      %dma_start3A_728 = tpu.memref_slice %arg5[%dma_start3A_726, %dma_start3A_727] : memref<376x128xf32, #tpu.memory_space<vmem>> -> memref<256x128xf32, #tpu.memory_space<vmem>>
      %dma_start3A_729 = tpu.memref_slice %arg3[%add3A_658, %mul3A_632, %multiple_of3A_650] : memref<512x512x768xf32, #tpu.memory_space<hbm>> -> memref<1x256x128xf32, #tpu.memory_space<hbm>>
      %dma_start3A_730 = tpu.memref_squeeze %dma_start3A_729 : memref<1x256x128xf32, #tpu.memory_space<hbm>> -> memref<256x128xf32, #tpu.memory_space<hbm>>
      %dma_start3A_731 = tpu.memref_slice %arg3[%add3A_658, %mul3A_632, %multiple_of3A_650] : memref<512x512x768xf32, #tpu.memory_space<hbm>> -> memref<1x256x128xf32, #tpu.memory_space<hbm>>
      %dma_start3A_732 = tpu.memref_squeeze %dma_start3A_731 : memref<1x256x128xf32, #tpu.memory_space<hbm>> -> memref<256x128xf32, #tpu.memory_space<hbm>>
      %dma_start3A_733 = arith.constant 96 : i32
      %dma_start3A_734 = arith.constant 0 : i32
      %dma_start3A_735 = tpu.memref_slice %arg5[%dma_start3A_733, %dma_start3A_734] : memref<376x128xf32, #tpu.memory_space<vmem>> -> memref<256x128xf32, #tpu.memory_space<vmem>>
      tpu.enqueue_dma source(%dma_start3A_735 : memref<256x128xf32, #tpu.memory_space<vmem>>) target(%dma_start3A_732 : memref<256x128xf32, #tpu.memory_space<hbm>>) target_semaphore(%arg9 : memref<!tpu.dma_semaphore, #tpu.memory_space<semaphore_mem>>)
      %dma_start3A_736 = arith.constant 88 : i32
      %dma_start3A_737 = arith.constant 0 : i32
      %dma_start3A_738 = tpu.memref_slice %arg5[%dma_start3A_736, %dma_start3A_737] : memref<376x128xf32, #tpu.memory_space<vmem>> -> memref<256x128xf32, #tpu.memory_space<vmem>>
      %dma_start3A_739 = tpu.memref_slice %arg3[%add3A_660, %mul3A_632, %multiple_of3A_650] : memref<512x512x768xf32, #tpu.memory_space<hbm>> -> memref<1x256x128xf32, #tpu.memory_space<hbm>>
      %dma_start3A_740 = tpu.memref_squeeze %dma_start3A_739 : memref<1x256x128xf32, #tpu.memory_space<hbm>> -> memref<256x128xf32, #tpu.memory_space<hbm>>
      %dma_start3A_741 = tpu.memref_slice %arg3[%add3A_660, %mul3A_632, %multiple_of3A_650] : memref<512x512x768xf32, #tpu.memory_space<hbm>> -> memref<1x256x128xf32, #tpu.memory_space<hbm>>
      %dma_start3A_742 = tpu.memref_squeeze %dma_start3A_741 : memref<1x256x128xf32, #tpu.memory_space<hbm>> -> memref<256x128xf32, #tpu.memory_space<hbm>>
      %dma_start3A_743 = arith.constant 88 : i32
      %dma_start3A_744 = arith.constant 0 : i32
      %dma_start3A_745 = tpu.memref_slice %arg5[%dma_start3A_743, %dma_start3A_744] : memref<376x128xf32, #tpu.memory_space<vmem>> -> memref<256x128xf32, #tpu.memory_space<vmem>>
      tpu.enqueue_dma source(%dma_start3A_745 : memref<256x128xf32, #tpu.memory_space<vmem>>) target(%dma_start3A_742 : memref<256x128xf32, #tpu.memory_space<hbm>>) target_semaphore(%arg9 : memref<!tpu.dma_semaphore, #tpu.memory_space<semaphore_mem>>)
      %dma_start3A_746 = arith.constant 80 : i32
      %dma_start3A_747 = arith.constant 0 : i32
      %dma_start3A_748 = tpu.memref_slice %arg5[%dma_start3A_746, %dma_start3A_747] : memref<376x128xf32, #tpu.memory_space<vmem>> -> memref<256x128xf32, #tpu.memory_space<vmem>>
      %dma_start3A_749 = tpu.memref_slice %arg3[%add3A_662, %mul3A_632, %multiple_of3A_650] : memref<512x512x768xf32, #tpu.memory_space<hbm>> -> memref<1x256x128xf32, #tpu.memory_space<hbm>>
      %dma_start3A_750 = tpu.memref_squeeze %dma_start3A_749 : memref<1x256x128xf32, #tpu.memory_space<hbm>> -> memref<256x128xf32, #tpu.memory_space<hbm>>
      %dma_start3A_751 = tpu.memref_slice %arg3[%add3A_662, %mul3A_632, %multiple_of3A_650] : memref<512x512x768xf32, #tpu.memory_space<hbm>> -> memref<1x256x128xf32, #tpu.memory_space<hbm>>
      %dma_start3A_752 = tpu.memref_squeeze %dma_start3A_751 : memref<1x256x128xf32, #tpu.memory_space<hbm>> -> memref<256x128xf32, #tpu.memory_space<hbm>>
      %dma_start3A_753 = arith.constant 80 : i32
      %dma_start3A_754 = arith.constant 0 : i32
      %dma_start3A_755 = tpu.memref_slice %arg5[%dma_start3A_753, %dma_start3A_754] : memref<376x128xf32, #tpu.memory_space<vmem>> -> memref<256x128xf32, #tpu.memory_space<vmem>>
      tpu.enqueue_dma source(%dma_start3A_755 : memref<256x128xf32, #tpu.memory_space<vmem>>) target(%dma_start3A_752 : memref<256x128xf32, #tpu.memory_space<hbm>>) target_semaphore(%arg9 : memref<!tpu.dma_semaphore, #tpu.memory_space<semaphore_mem>>)
      %dma_start3A_756 = arith.constant 72 : i32
      %dma_start3A_757 = arith.constant 0 : i32
      %dma_start3A_758 = tpu.memref_slice %arg5[%dma_start3A_756, %dma_start3A_757] : memref<376x128xf32, #tpu.memory_space<vmem>> -> memref<256x128xf32, #tpu.memory_space<vmem>>
      %dma_start3A_759 = tpu.memref_slice %arg3[%add3A_664, %mul3A_632, %multiple_of3A_650] : memref<512x512x768xf32, #tpu.memory_space<hbm>> -> memref<1x256x128xf32, #tpu.memory_space<hbm>>
      %dma_start3A_760 = tpu.memref_squeeze %dma_start3A_759 : memref<1x256x128xf32, #tpu.memory_space<hbm>> -> memref<256x128xf32, #tpu.memory_space<hbm>>
      %dma_start3A_761 = tpu.memref_slice %arg3[%add3A_664, %mul3A_632, %multiple_of3A_650] : memref<512x512x768xf32, #tpu.memory_space<hbm>> -> memref<1x256x128xf32, #tpu.memory_space<hbm>>
      %dma_start3A_762 = tpu.memref_squeeze %dma_start3A_761 : memref<1x256x128xf32, #tpu.memory_space<hbm>> -> memref<256x128xf32, #tpu.memory_space<hbm>>
      %dma_start3A_763 = arith.constant 72 : i32
      %dma_start3A_764 = arith.constant 0 : i32
      %dma_start3A_765 = tpu.memref_slice %arg5[%dma_start3A_763, %dma_start3A_764] : memref<376x128xf32, #tpu.memory_space<vmem>> -> memref<256x128xf32, #tpu.memory_space<vmem>>
      tpu.enqueue_dma source(%dma_start3A_765 : memref<256x128xf32, #tpu.memory_space<vmem>>) target(%dma_start3A_762 : memref<256x128xf32, #tpu.memory_space<hbm>>) target_semaphore(%arg9 : memref<!tpu.dma_semaphore, #tpu.memory_space<semaphore_mem>>)
      %dma_start3A_766 = arith.constant 64 : i32
      %dma_start3A_767 = arith.constant 0 : i32
      %dma_start3A_768 = tpu.memref_slice %arg5[%dma_start3A_766, %dma_start3A_767] : memref<376x128xf32, #tpu.memory_space<vmem>> -> memref<256x128xf32, #tpu.memory_space<vmem>>
      %dma_start3A_769 = tpu.memref_slice %arg3[%add3A_666, %mul3A_632, %multiple_of3A_650] : memref<512x512x768xf32, #tpu.memory_space<hbm>> -> memref<1x256x128xf32, #tpu.memory_space<hbm>>
      %dma_start3A_770 = tpu.memref_squeeze %dma_start3A_769 : memref<1x256x128xf32, #tpu.memory_space<hbm>> -> memref<256x128xf32, #tpu.memory_space<hbm>>
      %dma_start3A_771 = tpu.memref_slice %arg3[%add3A_666, %mul3A_632, %multiple_of3A_650] : memref<512x512x768xf32, #tpu.memory_space<hbm>> -> memref<1x256x128xf32, #tpu.memory_space<hbm>>
      %dma_start3A_772 = tpu.memref_squeeze %dma_start3A_771 : memref<1x256x128xf32, #tpu.memory_space<hbm>> -> memref<256x128xf32, #tpu.memory_space<hbm>>
      %dma_start3A_773 = arith.constant 64 : i32
      %dma_start3A_774 = arith.constant 0 : i32
      %dma_start3A_775 = tpu.memref_slice %arg5[%dma_start3A_773, %dma_start3A_774] : memref<376x128xf32, #tpu.memory_space<vmem>> -> memref<256x128xf32, #tpu.memory_space<vmem>>
      tpu.enqueue_dma source(%dma_start3A_775 : memref<256x128xf32, #tpu.memory_space<vmem>>) target(%dma_start3A_772 : memref<256x128xf32, #tpu.memory_space<hbm>>) target_semaphore(%arg9 : memref<!tpu.dma_semaphore, #tpu.memory_space<semaphore_mem>>)
      %dma_start3A_776 = arith.constant 56 : i32
      %dma_start3A_777 = arith.constant 0 : i32
      %dma_start3A_778 = tpu.memref_slice %arg5[%dma_start3A_776, %dma_start3A_777] : memref<376x128xf32, #tpu.memory_space<vmem>> -> memref<256x128xf32, #tpu.memory_space<vmem>>
      %dma_start3A_779 = tpu.memref_slice %arg3[%add3A_668, %mul3A_632, %multiple_of3A_650] : memref<512x512x768xf32, #tpu.memory_space<hbm>> -> memref<1x256x128xf32, #tpu.memory_space<hbm>>
      %dma_start3A_780 = tpu.memref_squeeze %dma_start3A_779 : memref<1x256x128xf32, #tpu.memory_space<hbm>> -> memref<256x128xf32, #tpu.memory_space<hbm>>
      %dma_start3A_781 = tpu.memref_slice %arg3[%add3A_668, %mul3A_632, %multiple_of3A_650] : memref<512x512x768xf32, #tpu.memory_space<hbm>> -> memref<1x256x128xf32, #tpu.memory_space<hbm>>
      %dma_start3A_782 = tpu.memref_squeeze %dma_start3A_781 : memref<1x256x128xf32, #tpu.memory_space<hbm>> -> memref<256x128xf32, #tpu.memory_space<hbm>>
      %dma_start3A_783 = arith.constant 56 : i32
      %dma_start3A_784 = arith.constant 0 : i32
      %dma_start3A_785 = tpu.memref_slice %arg5[%dma_start3A_783, %dma_start3A_784] : memref<376x128xf32, #tpu.memory_space<vmem>> -> memref<256x128xf32, #tpu.memory_space<vmem>>
      tpu.enqueue_dma source(%dma_start3A_785 : memref<256x128xf32, #tpu.memory_space<vmem>>) target(%dma_start3A_782 : memref<256x128xf32, #tpu.memory_space<hbm>>) target_semaphore(%arg9 : memref<!tpu.dma_semaphore, #tpu.memory_space<semaphore_mem>>)
      %dma_start3A_786 = arith.constant 48 : i32
      %dma_start3A_787 = arith.constant 0 : i32
      %dma_start3A_788 = tpu.memref_slice %arg5[%dma_start3A_786, %dma_start3A_787] : memref<376x128xf32, #tpu.memory_space<vmem>> -> memref<256x128xf32, #tpu.memory_space<vmem>>
      %dma_start3A_789 = tpu.memref_slice %arg3[%add3A_670, %mul3A_632, %multiple_of3A_650] : memref<512x512x768xf32, #tpu.memory_space<hbm>> -> memref<1x256x128xf32, #tpu.memory_space<hbm>>
      %dma_start3A_790 = tpu.memref_squeeze %dma_start3A_789 : memref<1x256x128xf32, #tpu.memory_space<hbm>> -> memref<256x128xf32, #tpu.memory_space<hbm>>
      %dma_start3A_791 = tpu.memref_slice %arg3[%add3A_670, %mul3A_632, %multiple_of3A_650] : memref<512x512x768xf32, #tpu.memory_space<hbm>> -> memref<1x256x128xf32, #tpu.memory_space<hbm>>
      %dma_start3A_792 = tpu.memref_squeeze %dma_start3A_791 : memref<1x256x128xf32, #tpu.memory_space<hbm>> -> memref<256x128xf32, #tpu.memory_space<hbm>>
      %dma_start3A_793 = arith.constant 48 : i32
      %dma_start3A_794 = arith.constant 0 : i32
      %dma_start3A_795 = tpu.memref_slice %arg5[%dma_start3A_793, %dma_start3A_794] : memref<376x128xf32, #tpu.memory_space<vmem>> -> memref<256x128xf32, #tpu.memory_space<vmem>>
      tpu.enqueue_dma source(%dma_start3A_795 : memref<256x128xf32, #tpu.memory_space<vmem>>) target(%dma_start3A_792 : memref<256x128xf32, #tpu.memory_space<hbm>>) target_semaphore(%arg9 : memref<!tpu.dma_semaphore, #tpu.memory_space<semaphore_mem>>)
      %dma_start3A_796 = arith.constant 40 : i32
      %dma_start3A_797 = arith.constant 0 : i32
      %dma_start3A_798 = tpu.memref_slice %arg5[%dma_start3A_796, %dma_start3A_797] : memref<376x128xf32, #tpu.memory_space<vmem>> -> memref<256x128xf32, #tpu.memory_space<vmem>>
      %dma_start3A_799 = tpu.memref_slice %arg3[%add3A_672, %mul3A_632, %multiple_of3A_650] : memref<512x512x768xf32, #tpu.memory_space<hbm>> -> memref<1x256x128xf32, #tpu.memory_space<hbm>>
      %dma_start3A_800 = tpu.memref_squeeze %dma_start3A_799 : memref<1x256x128xf32, #tpu.memory_space<hbm>> -> memref<256x128xf32, #tpu.memory_space<hbm>>
      %dma_start3A_801 = tpu.memref_slice %arg3[%add3A_672, %mul3A_632, %multiple_of3A_650] : memref<512x512x768xf32, #tpu.memory_space<hbm>> -> memref<1x256x128xf32, #tpu.memory_space<hbm>>
      %dma_start3A_802 = tpu.memref_squeeze %dma_start3A_801 : memref<1x256x128xf32, #tpu.memory_space<hbm>> -> memref<256x128xf32, #tpu.memory_space<hbm>>
      %dma_start3A_803 = arith.constant 40 : i32
      %dma_start3A_804 = arith.constant 0 : i32
      %dma_start3A_805 = tpu.memref_slice %arg5[%dma_start3A_803, %dma_start3A_804] : memref<376x128xf32, #tpu.memory_space<vmem>> -> memref<256x128xf32, #tpu.memory_space<vmem>>
      tpu.enqueue_dma source(%dma_start3A_805 : memref<256x128xf32, #tpu.memory_space<vmem>>) target(%dma_start3A_802 : memref<256x128xf32, #tpu.memory_space<hbm>>) target_semaphore(%arg9 : memref<!tpu.dma_semaphore, #tpu.memory_space<semaphore_mem>>)
      %dma_start3A_806 = arith.constant 32 : i32
      %dma_start3A_807 = arith.constant 0 : i32
      %dma_start3A_808 = tpu.memref_slice %arg5[%dma_start3A_806, %dma_start3A_807] : memref<376x128xf32, #tpu.memory_space<vmem>> -> memref<256x128xf32, #tpu.memory_space<vmem>>
      %dma_start3A_809 = tpu.memref_slice %arg3[%add3A_674, %mul3A_632, %multiple_of3A_650] : memref<512x512x768xf32, #tpu.memory_space<hbm>> -> memref<1x256x128xf32, #tpu.memory_space<hbm>>
      %dma_start3A_810 = tpu.memref_squeeze %dma_start3A_809 : memref<1x256x128xf32, #tpu.memory_space<hbm>> -> memref<256x128xf32, #tpu.memory_space<hbm>>
      %dma_start3A_811 = tpu.memref_slice %arg3[%add3A_674, %mul3A_632, %multiple_of3A_650] : memref<512x512x768xf32, #tpu.memory_space<hbm>> -> memref<1x256x128xf32, #tpu.memory_space<hbm>>
      %dma_start3A_812 = tpu.memref_squeeze %dma_start3A_811 : memref<1x256x128xf32, #tpu.memory_space<hbm>> -> memref<256x128xf32, #tpu.memory_space<hbm>>
      %dma_start3A_813 = arith.constant 32 : i32
      %dma_start3A_814 = arith.constant 0 : i32
      %dma_start3A_815 = tpu.memref_slice %arg5[%dma_start3A_813, %dma_start3A_814] : memref<376x128xf32, #tpu.memory_space<vmem>> -> memref<256x128xf32, #tpu.memory_space<vmem>>
      tpu.enqueue_dma source(%dma_start3A_815 : memref<256x128xf32, #tpu.memory_space<vmem>>) target(%dma_start3A_812 : memref<256x128xf32, #tpu.memory_space<hbm>>) target_semaphore(%arg9 : memref<!tpu.dma_semaphore, #tpu.memory_space<semaphore_mem>>)
      %dma_start3A_816 = arith.constant 24 : i32
      %dma_start3A_817 = arith.constant 0 : i32
      %dma_start3A_818 = tpu.memref_slice %arg5[%dma_start3A_816, %dma_start3A_817] : memref<376x128xf32, #tpu.memory_space<vmem>> -> memref<256x128xf32, #tpu.memory_space<vmem>>
      %dma_start3A_819 = tpu.memref_slice %arg3[%add3A_676, %mul3A_632, %multiple_of3A_650] : memref<512x512x768xf32, #tpu.memory_space<hbm>> -> memref<1x256x128xf32, #tpu.memory_space<hbm>>
      %dma_start3A_820 = tpu.memref_squeeze %dma_start3A_819 : memref<1x256x128xf32, #tpu.memory_space<hbm>> -> memref<256x128xf32, #tpu.memory_space<hbm>>
      %dma_start3A_821 = tpu.memref_slice %arg3[%add3A_676, %mul3A_632, %multiple_of3A_650] : memref<512x512x768xf32, #tpu.memory_space<hbm>> -> memref<1x256x128xf32, #tpu.memory_space<hbm>>
      %dma_start3A_822 = tpu.memref_squeeze %dma_start3A_821 : memref<1x256x128xf32, #tpu.memory_space<hbm>> -> memref<256x128xf32, #tpu.memory_space<hbm>>
      %dma_start3A_823 = arith.constant 24 : i32
      %dma_start3A_824 = arith.constant 0 : i32
      %dma_start3A_825 = tpu.memref_slice %arg5[%dma_start3A_823, %dma_start3A_824] : memref<376x128xf32, #tpu.memory_space<vmem>> -> memref<256x128xf32, #tpu.memory_space<vmem>>
      tpu.enqueue_dma source(%dma_start3A_825 : memref<256x128xf32, #tpu.memory_space<vmem>>) target(%dma_start3A_822 : memref<256x128xf32, #tpu.memory_space<hbm>>) target_semaphore(%arg9 : memref<!tpu.dma_semaphore, #tpu.memory_space<semaphore_mem>>)
      %dma_start3A_826 = arith.constant 16 : i32
      %dma_start3A_827 = arith.constant 0 : i32
      %dma_start3A_828 = tpu.memref_slice %arg5[%dma_start3A_826, %dma_start3A_827] : memref<376x128xf32, #tpu.memory_space<vmem>> -> memref<256x128xf32, #tpu.memory_space<vmem>>
      %dma_start3A_829 = tpu.memref_slice %arg3[%add3A_678, %mul3A_632, %multiple_of3A_650] : memref<512x512x768xf32, #tpu.memory_space<hbm>> -> memref<1x256x128xf32, #tpu.memory_space<hbm>>
      %dma_start3A_830 = tpu.memref_squeeze %dma_start3A_829 : memref<1x256x128xf32, #tpu.memory_space<hbm>> -> memref<256x128xf32, #tpu.memory_space<hbm>>
      %dma_start3A_831 = tpu.memref_slice %arg3[%add3A_678, %mul3A_632, %multiple_of3A_650] : memref<512x512x768xf32, #tpu.memory_space<hbm>> -> memref<1x256x128xf32, #tpu.memory_space<hbm>>
      %dma_start3A_832 = tpu.memref_squeeze %dma_start3A_831 : memref<1x256x128xf32, #tpu.memory_space<hbm>> -> memref<256x128xf32, #tpu.memory_space<hbm>>
      %dma_start3A_833 = arith.constant 16 : i32
      %dma_start3A_834 = arith.constant 0 : i32
      %dma_start3A_835 = tpu.memref_slice %arg5[%dma_start3A_833, %dma_start3A_834] : memref<376x128xf32, #tpu.memory_space<vmem>> -> memref<256x128xf32, #tpu.memory_space<vmem>>
      tpu.enqueue_dma source(%dma_start3A_835 : memref<256x128xf32, #tpu.memory_space<vmem>>) target(%dma_start3A_832 : memref<256x128xf32, #tpu.memory_space<hbm>>) target_semaphore(%arg9 : memref<!tpu.dma_semaphore, #tpu.memory_space<semaphore_mem>>)
      %dma_start3A_836 = arith.constant 8 : i32
      %dma_start3A_837 = arith.constant 0 : i32
      %dma_start3A_838 = tpu.memref_slice %arg5[%dma_start3A_836, %dma_start3A_837] : memref<376x128xf32, #tpu.memory_space<vmem>> -> memref<256x128xf32, #tpu.memory_space<vmem>>
      %dma_start3A_839 = tpu.memref_slice %arg3[%add3A_680, %mul3A_632, %multiple_of3A_650] : memref<512x512x768xf32, #tpu.memory_space<hbm>> -> memref<1x256x128xf32, #tpu.memory_space<hbm>>
      %dma_start3A_840 = tpu.memref_squeeze %dma_start3A_839 : memref<1x256x128xf32, #tpu.memory_space<hbm>> -> memref<256x128xf32, #tpu.memory_space<hbm>>
      %dma_start3A_841 = tpu.memref_slice %arg3[%add3A_680, %mul3A_632, %multiple_of3A_650] : memref<512x512x768xf32, #tpu.memory_space<hbm>> -> memref<1x256x128xf32, #tpu.memory_space<hbm>>
      %dma_start3A_842 = tpu.memref_squeeze %dma_start3A_841 : memref<1x256x128xf32, #tpu.memory_space<hbm>> -> memref<256x128xf32, #tpu.memory_space<hbm>>
      %dma_start3A_843 = arith.constant 8 : i32
      %dma_start3A_844 = arith.constant 0 : i32
      %dma_start3A_845 = tpu.memref_slice %arg5[%dma_start3A_843, %dma_start3A_844] : memref<376x128xf32, #tpu.memory_space<vmem>> -> memref<256x128xf32, #tpu.memory_space<vmem>>
      tpu.enqueue_dma source(%dma_start3A_845 : memref<256x128xf32, #tpu.memory_space<vmem>>) target(%dma_start3A_842 : memref<256x128xf32, #tpu.memory_space<hbm>>) target_semaphore(%arg9 : memref<!tpu.dma_semaphore, #tpu.memory_space<semaphore_mem>>)
      %dma_start3A_846 = arith.constant 0 : i32
      %dma_start3A_847 = arith.constant 0 : i32
      %dma_start3A_848 = tpu.memref_slice %arg5[%dma_start3A_846, %dma_start3A_847] : memref<376x128xf32, #tpu.memory_space<vmem>> -> memref<256x128xf32, #tpu.memory_space<vmem>>
      %dma_start3A_849 = tpu.memref_slice %arg3[%add3A_682, %mul3A_632, %multiple_of3A_650] : memref<512x512x768xf32, #tpu.memory_space<hbm>> -> memref<1x256x128xf32, #tpu.memory_space<hbm>>
      %dma_start3A_850 = tpu.memref_squeeze %dma_start3A_849 : memref<1x256x128xf32, #tpu.memory_space<hbm>> -> memref<256x128xf32, #tpu.memory_space<hbm>>
      %dma_start3A_851 = tpu.memref_slice %arg3[%add3A_682, %mul3A_632, %multiple_of3A_650] : memref<512x512x768xf32, #tpu.memory_space<hbm>> -> memref<1x256x128xf32, #tpu.memory_space<hbm>>
      %dma_start3A_852 = tpu.memref_squeeze %dma_start3A_851 : memref<1x256x128xf32, #tpu.memory_space<hbm>> -> memref<256x128xf32, #tpu.memory_space<hbm>>
      %dma_start3A_853 = arith.constant 0 : i32
      %dma_start3A_854 = arith.constant 0 : i32
      %dma_start3A_855 = tpu.memref_slice %arg5[%dma_start3A_853, %dma_start3A_854] : memref<376x128xf32, #tpu.memory_space<vmem>> -> memref<256x128xf32, #tpu.memory_space<vmem>>
      tpu.enqueue_dma source(%dma_start3A_855 : memref<256x128xf32, #tpu.memory_space<vmem>>) target(%dma_start3A_852 : memref<256x128xf32, #tpu.memory_space<hbm>>) target_semaphore(%arg9 : memref<!tpu.dma_semaphore, #tpu.memory_space<semaphore_mem>>)
    }
    %scan3A_11 = arith.constant 6 : i32
    %div3A_12 = arith.constant 0 : i32
    %div3A_13 = arith.constant 12 : i32
    %div3A_14 = arith.divsi %div3A_12, %div3A_13 : i32
    %rem3A_15 = arith.constant 0 : i32
    %rem3A_16 = arith.constant 12 : i32
    %rem3A_17 = arith.remsi %rem3A_15, %rem3A_16 : i32
    %div3A_18 = arith.constant 6 : i32
    %div3A_19 = arith.divsi %rem3A_17, %div3A_18 : i32
    %mul3A_20 = arith.constant 256 : i32
    %mul3A_21 = arith.muli %div3A_19, %mul3A_20 : i32
    %rem3A_22 = arith.constant 6 : i32
    %rem3A_23 = arith.remsi %rem3A_17, %rem3A_22 : i32
    %mul3A_24 = arith.constant 128 : i32
    %mul3A_25 = arith.muli %rem3A_23, %mul3A_24 : i32
    %add3A_26 = arith.addi %mul3A_3, %mul3A_6 : i32
    %add3A_27 = arith.addi %add3A_26, %div3A_14 : i32
    %sub3A = arith.constant 2047 : i32
    %sub3A_28 = arith.subi %sub3A, %add3A_27 : i32
    %rem3A_29 = arith.constant 8 : i32
    %rem3A_30 = arith.remsi %sub3A_28, %rem3A_29 : i32
    %sub3A_31 = arith.subi %sub3A_28, %rem3A_30 : i32
    %sub3A_32 = arith.constant 1416 : i32
    %sub3A_33 = arith.subi %sub3A_31, %sub3A_32 : i32
    %add3A_34 = arith.addi %sub3A_33, %mul3A_21 : i32
    %sub3A_35 = arith.constant 120 : i32
    %sub3A_36 = arith.subi %add3A_34, %sub3A_35 : i32
    %multiple_of3A = tpu.assume_multiple %sub3A_36, 8 : i32
    %multiple_of3A_37 = tpu.assume_multiple %mul3A_25, 128 : i32
    %add3A_38 = arith.constant 0 : i32
    %add3A_39 = arith.addi %add3A_27, %add3A_38 : i32
    %add3A_40 = arith.constant 8 : i32
    %add3A_41 = arith.addi %add3A_27, %add3A_40 : i32
    %add3A_42 = arith.constant 16 : i32
    %add3A_43 = arith.addi %add3A_27, %add3A_42 : i32
    %add3A_44 = arith.constant 24 : i32
    %add3A_45 = arith.addi %add3A_27, %add3A_44 : i32
    %add3A_46 = arith.constant 32 : i32
    %add3A_47 = arith.addi %add3A_27, %add3A_46 : i32
    %add3A_48 = arith.constant 40 : i32
    %add3A_49 = arith.addi %add3A_27, %add3A_48 : i32
    %add3A_50 = arith.constant 48 : i32
    %add3A_51 = arith.addi %add3A_27, %add3A_50 : i32
    %add3A_52 = arith.constant 56 : i32
    %add3A_53 = arith.addi %add3A_27, %add3A_52 : i32
    %add3A_54 = arith.constant 64 : i32
    %add3A_55 = arith.addi %add3A_27, %add3A_54 : i32
    %add3A_56 = arith.constant 72 : i32
    %add3A_57 = arith.addi %add3A_27, %add3A_56 : i32
    %add3A_58 = arith.constant 80 : i32
    %add3A_59 = arith.addi %add3A_27, %add3A_58 : i32
    %add3A_60 = arith.constant 88 : i32
    %add3A_61 = arith.addi %add3A_27, %add3A_60 : i32
    %add3A_62 = arith.constant 96 : i32
    %add3A_63 = arith.addi %add3A_27, %add3A_62 : i32
    %add3A_64 = arith.constant 104 : i32
    %add3A_65 = arith.addi %add3A_27, %add3A_64 : i32
    %add3A_66 = arith.constant 112 : i32
    %add3A_67 = arith.addi %add3A_27, %add3A_66 : i32
    %add3A_68 = arith.constant 120 : i32
    %add3A_69 = arith.addi %add3A_27, %add3A_68 : i32
    %dma_wait3A = arith.constant 0 : i32
    %dma_wait3A_70 = arith.constant 0 : i32
    %dma_wait3A_71 = tpu.memref_slice %arg4[%dma_wait3A, %dma_wait3A_70] : memref<376x128xf32, #tpu.memory_space<vmem>> -> memref<256x128xf32, #tpu.memory_space<vmem>>
    %dma_wait3A_72 = tpu.memref_slice %arg2[%rem3A_30, %multiple_of3A, %multiple_of3A_37] : memref<8x1144x768xf32, #tpu.memory_space<hbm>> -> memref<1x376x128xf32, #tpu.memory_space<hbm>>
    %dma_wait3A_73 = tpu.memref_squeeze %dma_wait3A_72 : memref<1x376x128xf32, #tpu.memory_space<hbm>> -> memref<376x128xf32, #tpu.memory_space<hbm>>
    %dma_wait3A_74 = arith.constant 0 : i32
    %dma_wait3A_75 = arith.constant 0 : i32
    %dma_wait3A_76 = tpu.memref_slice %arg4[%dma_wait3A_74, %dma_wait3A_75] : memref<376x128xf32, #tpu.memory_space<vmem>> -> memref<256x128xf32, #tpu.memory_space<vmem>>
    %dma_wait3A_77 = tpu.memref_slice %arg2[%rem3A_30, %multiple_of3A, %multiple_of3A_37] : memref<8x1144x768xf32, #tpu.memory_space<hbm>> -> memref<1x376x128xf32, #tpu.memory_space<hbm>>
    %dma_wait3A_78 = tpu.memref_squeeze %dma_wait3A_77 : memref<1x376x128xf32, #tpu.memory_space<hbm>> -> memref<376x128xf32, #tpu.memory_space<hbm>>
    tpu.wait_dma2 semaphore(%arg8 : memref<!tpu.dma_semaphore, #tpu.memory_space<semaphore_mem>>) src(%dma_wait3A_78 : memref<376x128xf32, #tpu.memory_space<hbm>>) dst(%dma_wait3A_76 : memref<256x128xf32, #tpu.memory_space<vmem>>)
    %dma_wait3A_79 = arith.constant 0 : i32
    %dma_wait3A_80 = arith.constant 0 : i32
    %dma_wait3A_81 = tpu.memref_slice %arg4[%dma_wait3A_79, %dma_wait3A_80] : memref<376x128xf32, #tpu.memory_space<vmem>> -> memref<256x128xf32, #tpu.memory_space<vmem>>
    %dma_wait3A_82 = tpu.memref_slice %arg2[%rem3A_30, %multiple_of3A, %multiple_of3A_37] : memref<8x1144x768xf32, #tpu.memory_space<hbm>> -> memref<1x376x128xf32, #tpu.memory_space<hbm>>
    %dma_wait3A_83 = tpu.memref_squeeze %dma_wait3A_82 : memref<1x376x128xf32, #tpu.memory_space<hbm>> -> memref<376x128xf32, #tpu.memory_space<hbm>>
    %dma_wait3A_84 = arith.constant 0 : i32
    %dma_wait3A_85 = arith.constant 0 : i32
    %dma_wait3A_86 = tpu.memref_slice %arg4[%dma_wait3A_84, %dma_wait3A_85] : memref<376x128xf32, #tpu.memory_space<vmem>> -> memref<256x128xf32, #tpu.memory_space<vmem>>
    %dma_wait3A_87 = tpu.memref_slice %arg2[%rem3A_30, %multiple_of3A, %multiple_of3A_37] : memref<8x1144x768xf32, #tpu.memory_space<hbm>> -> memref<1x376x128xf32, #tpu.memory_space<hbm>>
    %dma_wait3A_88 = tpu.memref_squeeze %dma_wait3A_87 : memref<1x376x128xf32, #tpu.memory_space<hbm>> -> memref<376x128xf32, #tpu.memory_space<hbm>>
    tpu.wait_dma2 semaphore(%arg8 : memref<!tpu.dma_semaphore, #tpu.memory_space<semaphore_mem>>) src(%dma_wait3A_88 : memref<376x128xf32, #tpu.memory_space<hbm>>) dst(%dma_wait3A_86 : memref<256x128xf32, #tpu.memory_space<vmem>>)
    %dma_wait3A_89 = arith.constant 0 : i32
    %dma_wait3A_90 = arith.constant 0 : i32
    %dma_wait3A_91 = tpu.memref_slice %arg4[%dma_wait3A_89, %dma_wait3A_90] : memref<376x128xf32, #tpu.memory_space<vmem>> -> memref<256x128xf32, #tpu.memory_space<vmem>>
    %dma_wait3A_92 = tpu.memref_slice %arg2[%rem3A_30, %multiple_of3A, %multiple_of3A_37] : memref<8x1144x768xf32, #tpu.memory_space<hbm>> -> memref<1x376x128xf32, #tpu.memory_space<hbm>>
    %dma_wait3A_93 = tpu.memref_squeeze %dma_wait3A_92 : memref<1x376x128xf32, #tpu.memory_space<hbm>> -> memref<376x128xf32, #tpu.memory_space<hbm>>
    %dma_wait3A_94 = arith.constant 0 : i32
    %dma_wait3A_95 = arith.constant 0 : i32
    %dma_wait3A_96 = tpu.memref_slice %arg4[%dma_wait3A_94, %dma_wait3A_95] : memref<376x128xf32, #tpu.memory_space<vmem>> -> memref<256x128xf32, #tpu.memory_space<vmem>>
    %dma_wait3A_97 = tpu.memref_slice %arg2[%rem3A_30, %multiple_of3A, %multiple_of3A_37] : memref<8x1144x768xf32, #tpu.memory_space<hbm>> -> memref<1x376x128xf32, #tpu.memory_space<hbm>>
    %dma_wait3A_98 = tpu.memref_squeeze %dma_wait3A_97 : memref<1x376x128xf32, #tpu.memory_space<hbm>> -> memref<376x128xf32, #tpu.memory_space<hbm>>
    tpu.wait_dma2 semaphore(%arg8 : memref<!tpu.dma_semaphore, #tpu.memory_space<semaphore_mem>>) src(%dma_wait3A_98 : memref<376x128xf32, #tpu.memory_space<hbm>>) dst(%dma_wait3A_96 : memref<256x128xf32, #tpu.memory_space<vmem>>)
    %dma_wait3A_99 = arith.constant 0 : i32
    %dma_wait3A_100 = arith.constant 0 : i32
    %dma_wait3A_101 = tpu.memref_slice %arg4[%dma_wait3A_99, %dma_wait3A_100] : memref<376x128xf32, #tpu.memory_space<vmem>> -> memref<256x128xf32, #tpu.memory_space<vmem>>
    %dma_wait3A_102 = tpu.memref_slice %arg2[%rem3A_30, %multiple_of3A, %multiple_of3A_37] : memref<8x1144x768xf32, #tpu.memory_space<hbm>> -> memref<1x376x128xf32, #tpu.memory_space<hbm>>
    %dma_wait3A_103 = tpu.memref_squeeze %dma_wait3A_102 : memref<1x376x128xf32, #tpu.memory_space<hbm>> -> memref<376x128xf32, #tpu.memory_space<hbm>>
    %dma_wait3A_104 = arith.constant 0 : i32
    %dma_wait3A_105 = arith.constant 0 : i32
    %dma_wait3A_106 = tpu.memref_slice %arg4[%dma_wait3A_104, %dma_wait3A_105] : memref<376x128xf32, #tpu.memory_space<vmem>> -> memref<256x128xf32, #tpu.memory_space<vmem>>
    %dma_wait3A_107 = tpu.memref_slice %arg2[%rem3A_30, %multiple_of3A, %multiple_of3A_37] : memref<8x1144x768xf32, #tpu.memory_space<hbm>> -> memref<1x376x128xf32, #tpu.memory_space<hbm>>
    %dma_wait3A_108 = tpu.memref_squeeze %dma_wait3A_107 : memref<1x376x128xf32, #tpu.memory_space<hbm>> -> memref<376x128xf32, #tpu.memory_space<hbm>>
    tpu.wait_dma2 semaphore(%arg8 : memref<!tpu.dma_semaphore, #tpu.memory_space<semaphore_mem>>) src(%dma_wait3A_108 : memref<376x128xf32, #tpu.memory_space<hbm>>) dst(%dma_wait3A_106 : memref<256x128xf32, #tpu.memory_space<vmem>>)
    %dma_wait3A_109 = arith.constant 0 : i32
    %dma_wait3A_110 = arith.constant 0 : i32
    %dma_wait3A_111 = tpu.memref_slice %arg4[%dma_wait3A_109, %dma_wait3A_110] : memref<376x128xf32, #tpu.memory_space<vmem>> -> memref<256x128xf32, #tpu.memory_space<vmem>>
    %dma_wait3A_112 = tpu.memref_slice %arg2[%rem3A_30, %multiple_of3A, %multiple_of3A_37] : memref<8x1144x768xf32, #tpu.memory_space<hbm>> -> memref<1x376x128xf32, #tpu.memory_space<hbm>>
    %dma_wait3A_113 = tpu.memref_squeeze %dma_wait3A_112 : memref<1x376x128xf32, #tpu.memory_space<hbm>> -> memref<376x128xf32, #tpu.memory_space<hbm>>
    %dma_wait3A_114 = arith.constant 0 : i32
    %dma_wait3A_115 = arith.constant 0 : i32
    %dma_wait3A_116 = tpu.memref_slice %arg4[%dma_wait3A_114, %dma_wait3A_115] : memref<376x128xf32, #tpu.memory_space<vmem>> -> memref<256x128xf32, #tpu.memory_space<vmem>>
    %dma_wait3A_117 = tpu.memref_slice %arg2[%rem3A_30, %multiple_of3A, %multiple_of3A_37] : memref<8x1144x768xf32, #tpu.memory_space<hbm>> -> memref<1x376x128xf32, #tpu.memory_space<hbm>>
    %dma_wait3A_118 = tpu.memref_squeeze %dma_wait3A_117 : memref<1x376x128xf32, #tpu.memory_space<hbm>> -> memref<376x128xf32, #tpu.memory_space<hbm>>
    tpu.wait_dma2 semaphore(%arg8 : memref<!tpu.dma_semaphore, #tpu.memory_space<semaphore_mem>>) src(%dma_wait3A_118 : memref<376x128xf32, #tpu.memory_space<hbm>>) dst(%dma_wait3A_116 : memref<256x128xf32, #tpu.memory_space<vmem>>)
    %dma_wait3A_119 = arith.constant 0 : i32
    %dma_wait3A_120 = arith.constant 0 : i32
    %dma_wait3A_121 = tpu.memref_slice %arg4[%dma_wait3A_119, %dma_wait3A_120] : memref<376x128xf32, #tpu.memory_space<vmem>> -> memref<256x128xf32, #tpu.memory_space<vmem>>
    %dma_wait3A_122 = tpu.memref_slice %arg2[%rem3A_30, %multiple_of3A, %multiple_of3A_37] : memref<8x1144x768xf32, #tpu.memory_space<hbm>> -> memref<1x376x128xf32, #tpu.memory_space<hbm>>
    %dma_wait3A_123 = tpu.memref_squeeze %dma_wait3A_122 : memref<1x376x128xf32, #tpu.memory_space<hbm>> -> memref<376x128xf32, #tpu.memory_space<hbm>>
    %dma_wait3A_124 = arith.constant 0 : i32
    %dma_wait3A_125 = arith.constant 0 : i32
    %dma_wait3A_126 = tpu.memref_slice %arg4[%dma_wait3A_124, %dma_wait3A_125] : memref<376x128xf32, #tpu.memory_space<vmem>> -> memref<256x128xf32, #tpu.memory_space<vmem>>
    %dma_wait3A_127 = tpu.memref_slice %arg2[%rem3A_30, %multiple_of3A, %multiple_of3A_37] : memref<8x1144x768xf32, #tpu.memory_space<hbm>> -> memref<1x376x128xf32, #tpu.memory_space<hbm>>
    %dma_wait3A_128 = tpu.memref_squeeze %dma_wait3A_127 : memref<1x376x128xf32, #tpu.memory_space<hbm>> -> memref<376x128xf32, #tpu.memory_space<hbm>>
    tpu.wait_dma2 semaphore(%arg8 : memref<!tpu.dma_semaphore, #tpu.memory_space<semaphore_mem>>) src(%dma_wait3A_128 : memref<376x128xf32, #tpu.memory_space<hbm>>) dst(%dma_wait3A_126 : memref<256x128xf32, #tpu.memory_space<vmem>>)
    %dma_wait3A_129 = arith.constant 0 : i32
    %dma_wait3A_130 = arith.constant 0 : i32
    %dma_wait3A_131 = tpu.memref_slice %arg4[%dma_wait3A_129, %dma_wait3A_130] : memref<376x128xf32, #tpu.memory_space<vmem>> -> memref<256x128xf32, #tpu.memory_space<vmem>>
    %dma_wait3A_132 = tpu.memref_slice %arg2[%rem3A_30, %multiple_of3A, %multiple_of3A_37] : memref<8x1144x768xf32, #tpu.memory_space<hbm>> -> memref<1x376x128xf32, #tpu.memory_space<hbm>>
    %dma_wait3A_133 = tpu.memref_squeeze %dma_wait3A_132 : memref<1x376x128xf32, #tpu.memory_space<hbm>> -> memref<376x128xf32, #tpu.memory_space<hbm>>
    %dma_wait3A_134 = arith.constant 0 : i32
    %dma_wait3A_135 = arith.constant 0 : i32
    %dma_wait3A_136 = tpu.memref_slice %arg4[%dma_wait3A_134, %dma_wait3A_135] : memref<376x128xf32, #tpu.memory_space<vmem>> -> memref<256x128xf32, #tpu.memory_space<vmem>>
    %dma_wait3A_137 = tpu.memref_slice %arg2[%rem3A_30, %multiple_of3A, %multiple_of3A_37] : memref<8x1144x768xf32, #tpu.memory_space<hbm>> -> memref<1x376x128xf32, #tpu.memory_space<hbm>>
    %dma_wait3A_138 = tpu.memref_squeeze %dma_wait3A_137 : memref<1x376x128xf32, #tpu.memory_space<hbm>> -> memref<376x128xf32, #tpu.memory_space<hbm>>
    tpu.wait_dma2 semaphore(%arg8 : memref<!tpu.dma_semaphore, #tpu.memory_space<semaphore_mem>>) src(%dma_wait3A_138 : memref<376x128xf32, #tpu.memory_space<hbm>>) dst(%dma_wait3A_136 : memref<256x128xf32, #tpu.memory_space<vmem>>)
    %dma_wait3A_139 = arith.constant 0 : i32
    %dma_wait3A_140 = arith.constant 0 : i32
    %dma_wait3A_141 = tpu.memref_slice %arg4[%dma_wait3A_139, %dma_wait3A_140] : memref<376x128xf32, #tpu.memory_space<vmem>> -> memref<256x128xf32, #tpu.memory_space<vmem>>
    %dma_wait3A_142 = tpu.memref_slice %arg2[%rem3A_30, %multiple_of3A, %multiple_of3A_37] : memref<8x1144x768xf32, #tpu.memory_space<hbm>> -> memref<1x376x128xf32, #tpu.memory_space<hbm>>
    %dma_wait3A_143 = tpu.memref_squeeze %dma_wait3A_142 : memref<1x376x128xf32, #tpu.memory_space<hbm>> -> memref<376x128xf32, #tpu.memory_space<hbm>>
    %dma_wait3A_144 = arith.constant 0 : i32
    %dma_wait3A_145 = arith.constant 0 : i32
    %dma_wait3A_146 = tpu.memref_slice %arg4[%dma_wait3A_144, %dma_wait3A_145] : memref<376x128xf32, #tpu.memory_space<vmem>> -> memref<256x128xf32, #tpu.memory_space<vmem>>
    %dma_wait3A_147 = tpu.memref_slice %arg2[%rem3A_30, %multiple_of3A, %multiple_of3A_37] : memref<8x1144x768xf32, #tpu.memory_space<hbm>> -> memref<1x376x128xf32, #tpu.memory_space<hbm>>
    %dma_wait3A_148 = tpu.memref_squeeze %dma_wait3A_147 : memref<1x376x128xf32, #tpu.memory_space<hbm>> -> memref<376x128xf32, #tpu.memory_space<hbm>>
    tpu.wait_dma2 semaphore(%arg8 : memref<!tpu.dma_semaphore, #tpu.memory_space<semaphore_mem>>) src(%dma_wait3A_148 : memref<376x128xf32, #tpu.memory_space<hbm>>) dst(%dma_wait3A_146 : memref<256x128xf32, #tpu.memory_space<vmem>>)
    %dma_wait3A_149 = arith.constant 0 : i32
    %dma_wait3A_150 = arith.constant 0 : i32
    %dma_wait3A_151 = tpu.memref_slice %arg4[%dma_wait3A_149, %dma_wait3A_150] : memref<376x128xf32, #tpu.memory_space<vmem>> -> memref<256x128xf32, #tpu.memory_space<vmem>>
    %dma_wait3A_152 = tpu.memref_slice %arg2[%rem3A_30, %multiple_of3A, %multiple_of3A_37] : memref<8x1144x768xf32, #tpu.memory_space<hbm>> -> memref<1x376x128xf32, #tpu.memory_space<hbm>>
    %dma_wait3A_153 = tpu.memref_squeeze %dma_wait3A_152 : memref<1x376x128xf32, #tpu.memory_space<hbm>> -> memref<376x128xf32, #tpu.memory_space<hbm>>
    %dma_wait3A_154 = arith.constant 0 : i32
    %dma_wait3A_155 = arith.constant 0 : i32
    %dma_wait3A_156 = tpu.memref_slice %arg4[%dma_wait3A_154, %dma_wait3A_155] : memref<376x128xf32, #tpu.memory_space<vmem>> -> memref<256x128xf32, #tpu.memory_space<vmem>>
    %dma_wait3A_157 = tpu.memref_slice %arg2[%rem3A_30, %multiple_of3A, %multiple_of3A_37] : memref<8x1144x768xf32, #tpu.memory_space<hbm>> -> memref<1x376x128xf32, #tpu.memory_space<hbm>>
    %dma_wait3A_158 = tpu.memref_squeeze %dma_wait3A_157 : memref<1x376x128xf32, #tpu.memory_space<hbm>> -> memref<376x128xf32, #tpu.memory_space<hbm>>
    tpu.wait_dma2 semaphore(%arg8 : memref<!tpu.dma_semaphore, #tpu.memory_space<semaphore_mem>>) src(%dma_wait3A_158 : memref<376x128xf32, #tpu.memory_space<hbm>>) dst(%dma_wait3A_156 : memref<256x128xf32, #tpu.memory_space<vmem>>)
    %dma_wait3A_159 = arith.constant 0 : i32
    %dma_wait3A_160 = arith.constant 0 : i32
    %dma_wait3A_161 = tpu.memref_slice %arg4[%dma_wait3A_159, %dma_wait3A_160] : memref<376x128xf32, #tpu.memory_space<vmem>> -> memref<256x128xf32, #tpu.memory_space<vmem>>
    %dma_wait3A_162 = tpu.memref_slice %arg2[%rem3A_30, %multiple_of3A, %multiple_of3A_37] : memref<8x1144x768xf32, #tpu.memory_space<hbm>> -> memref<1x376x128xf32, #tpu.memory_space<hbm>>
    %dma_wait3A_163 = tpu.memref_squeeze %dma_wait3A_162 : memref<1x376x128xf32, #tpu.memory_space<hbm>> -> memref<376x128xf32, #tpu.memory_space<hbm>>
    %dma_wait3A_164 = arith.constant 0 : i32
    %dma_wait3A_165 = arith.constant 0 : i32
    %dma_wait3A_166 = tpu.memref_slice %arg4[%dma_wait3A_164, %dma_wait3A_165] : memref<376x128xf32, #tpu.memory_space<vmem>> -> memref<256x128xf32, #tpu.memory_space<vmem>>
    %dma_wait3A_167 = tpu.memref_slice %arg2[%rem3A_30, %multiple_of3A, %multiple_of3A_37] : memref<8x1144x768xf32, #tpu.memory_space<hbm>> -> memref<1x376x128xf32, #tpu.memory_space<hbm>>
    %dma_wait3A_168 = tpu.memref_squeeze %dma_wait3A_167 : memref<1x376x128xf32, #tpu.memory_space<hbm>> -> memref<376x128xf32, #tpu.memory_space<hbm>>
    tpu.wait_dma2 semaphore(%arg8 : memref<!tpu.dma_semaphore, #tpu.memory_space<semaphore_mem>>) src(%dma_wait3A_168 : memref<376x128xf32, #tpu.memory_space<hbm>>) dst(%dma_wait3A_166 : memref<256x128xf32, #tpu.memory_space<vmem>>)
    %dma_wait3A_169 = arith.constant 0 : i32
    %dma_wait3A_170 = arith.constant 0 : i32
    %dma_wait3A_171 = tpu.memref_slice %arg4[%dma_wait3A_169, %dma_wait3A_170] : memref<376x128xf32, #tpu.memory_space<vmem>> -> memref<256x128xf32, #tpu.memory_space<vmem>>
    %dma_wait3A_172 = tpu.memref_slice %arg2[%rem3A_30, %multiple_of3A, %multiple_of3A_37] : memref<8x1144x768xf32, #tpu.memory_space<hbm>> -> memref<1x376x128xf32, #tpu.memory_space<hbm>>
    %dma_wait3A_173 = tpu.memref_squeeze %dma_wait3A_172 : memref<1x376x128xf32, #tpu.memory_space<hbm>> -> memref<376x128xf32, #tpu.memory_space<hbm>>
    %dma_wait3A_174 = arith.constant 0 : i32
    %dma_wait3A_175 = arith.constant 0 : i32
    %dma_wait3A_176 = tpu.memref_slice %arg4[%dma_wait3A_174, %dma_wait3A_175] : memref<376x128xf32, #tpu.memory_space<vmem>> -> memref<256x128xf32, #tpu.memory_space<vmem>>
    %dma_wait3A_177 = tpu.memref_slice %arg2[%rem3A_30, %multiple_of3A, %multiple_of3A_37] : memref<8x1144x768xf32, #tpu.memory_space<hbm>> -> memref<1x376x128xf32, #tpu.memory_space<hbm>>
    %dma_wait3A_178 = tpu.memref_squeeze %dma_wait3A_177 : memref<1x376x128xf32, #tpu.memory_space<hbm>> -> memref<376x128xf32, #tpu.memory_space<hbm>>
    tpu.wait_dma2 semaphore(%arg8 : memref<!tpu.dma_semaphore, #tpu.memory_space<semaphore_mem>>) src(%dma_wait3A_178 : memref<376x128xf32, #tpu.memory_space<hbm>>) dst(%dma_wait3A_176 : memref<256x128xf32, #tpu.memory_space<vmem>>)
    %dma_wait3A_179 = arith.constant 0 : i32
    %dma_wait3A_180 = arith.constant 0 : i32
    %dma_wait3A_181 = tpu.memref_slice %arg4[%dma_wait3A_179, %dma_wait3A_180] : memref<376x128xf32, #tpu.memory_space<vmem>> -> memref<256x128xf32, #tpu.memory_space<vmem>>
    %dma_wait3A_182 = tpu.memref_slice %arg2[%rem3A_30, %multiple_of3A, %multiple_of3A_37] : memref<8x1144x768xf32, #tpu.memory_space<hbm>> -> memref<1x376x128xf32, #tpu.memory_space<hbm>>
    %dma_wait3A_183 = tpu.memref_squeeze %dma_wait3A_182 : memref<1x376x128xf32, #tpu.memory_space<hbm>> -> memref<376x128xf32, #tpu.memory_space<hbm>>
    %dma_wait3A_184 = arith.constant 0 : i32
    %dma_wait3A_185 = arith.constant 0 : i32
    %dma_wait3A_186 = tpu.memref_slice %arg4[%dma_wait3A_184, %dma_wait3A_185] : memref<376x128xf32, #tpu.memory_space<vmem>> -> memref<256x128xf32, #tpu.memory_space<vmem>>
    %dma_wait3A_187 = tpu.memref_slice %arg2[%rem3A_30, %multiple_of3A, %multiple_of3A_37] : memref<8x1144x768xf32, #tpu.memory_space<hbm>> -> memref<1x376x128xf32, #tpu.memory_space<hbm>>
    %dma_wait3A_188 = tpu.memref_squeeze %dma_wait3A_187 : memref<1x376x128xf32, #tpu.memory_space<hbm>> -> memref<376x128xf32, #tpu.memory_space<hbm>>
    tpu.wait_dma2 semaphore(%arg8 : memref<!tpu.dma_semaphore, #tpu.memory_space<semaphore_mem>>) src(%dma_wait3A_188 : memref<376x128xf32, #tpu.memory_space<hbm>>) dst(%dma_wait3A_186 : memref<256x128xf32, #tpu.memory_space<vmem>>)
    %dma_wait3A_189 = arith.constant 0 : i32
    %dma_wait3A_190 = arith.constant 0 : i32
    %dma_wait3A_191 = tpu.memref_slice %arg4[%dma_wait3A_189, %dma_wait3A_190] : memref<376x128xf32, #tpu.memory_space<vmem>> -> memref<256x128xf32, #tpu.memory_space<vmem>>
    %dma_wait3A_192 = tpu.memref_slice %arg2[%rem3A_30, %multiple_of3A, %multiple_of3A_37] : memref<8x1144x768xf32, #tpu.memory_space<hbm>> -> memref<1x376x128xf32, #tpu.memory_space<hbm>>
    %dma_wait3A_193 = tpu.memref_squeeze %dma_wait3A_192 : memref<1x376x128xf32, #tpu.memory_space<hbm>> -> memref<376x128xf32, #tpu.memory_space<hbm>>
    %dma_wait3A_194 = arith.constant 0 : i32
    %dma_wait3A_195 = arith.constant 0 : i32
    %dma_wait3A_196 = tpu.memref_slice %arg4[%dma_wait3A_194, %dma_wait3A_195] : memref<376x128xf32, #tpu.memory_space<vmem>> -> memref<256x128xf32, #tpu.memory_space<vmem>>
    %dma_wait3A_197 = tpu.memref_slice %arg2[%rem3A_30, %multiple_of3A, %multiple_of3A_37] : memref<8x1144x768xf32, #tpu.memory_space<hbm>> -> memref<1x376x128xf32, #tpu.memory_space<hbm>>
    %dma_wait3A_198 = tpu.memref_squeeze %dma_wait3A_197 : memref<1x376x128xf32, #tpu.memory_space<hbm>> -> memref<376x128xf32, #tpu.memory_space<hbm>>
    tpu.wait_dma2 semaphore(%arg8 : memref<!tpu.dma_semaphore, #tpu.memory_space<semaphore_mem>>) src(%dma_wait3A_198 : memref<376x128xf32, #tpu.memory_space<hbm>>) dst(%dma_wait3A_196 : memref<256x128xf32, #tpu.memory_space<vmem>>)
    %dma_wait3A_199 = arith.constant 0 : i32
    %dma_wait3A_200 = arith.constant 0 : i32
    %dma_wait3A_201 = tpu.memref_slice %arg4[%dma_wait3A_199, %dma_wait3A_200] : memref<376x128xf32, #tpu.memory_space<vmem>> -> memref<256x128xf32, #tpu.memory_space<vmem>>
    %dma_wait3A_202 = tpu.memref_slice %arg2[%rem3A_30, %multiple_of3A, %multiple_of3A_37] : memref<8x1144x768xf32, #tpu.memory_space<hbm>> -> memref<1x376x128xf32, #tpu.memory_space<hbm>>
    %dma_wait3A_203 = tpu.memref_squeeze %dma_wait3A_202 : memref<1x376x128xf32, #tpu.memory_space<hbm>> -> memref<376x128xf32, #tpu.memory_space<hbm>>
    %dma_wait3A_204 = arith.constant 0 : i32
    %dma_wait3A_205 = arith.constant 0 : i32
    %dma_wait3A_206 = tpu.memref_slice %arg4[%dma_wait3A_204, %dma_wait3A_205] : memref<376x128xf32, #tpu.memory_space<vmem>> -> memref<256x128xf32, #tpu.memory_space<vmem>>
    %dma_wait3A_207 = tpu.memref_slice %arg2[%rem3A_30, %multiple_of3A, %multiple_of3A_37] : memref<8x1144x768xf32, #tpu.memory_space<hbm>> -> memref<1x376x128xf32, #tpu.memory_space<hbm>>
    %dma_wait3A_208 = tpu.memref_squeeze %dma_wait3A_207 : memref<1x376x128xf32, #tpu.memory_space<hbm>> -> memref<376x128xf32, #tpu.memory_space<hbm>>
    tpu.wait_dma2 semaphore(%arg8 : memref<!tpu.dma_semaphore, #tpu.memory_space<semaphore_mem>>) src(%dma_wait3A_208 : memref<376x128xf32, #tpu.memory_space<hbm>>) dst(%dma_wait3A_206 : memref<256x128xf32, #tpu.memory_space<vmem>>)
    %dma_wait3A_209 = arith.constant 0 : i32
    %dma_wait3A_210 = arith.constant 0 : i32
    %dma_wait3A_211 = tpu.memref_slice %arg4[%dma_wait3A_209, %dma_wait3A_210] : memref<376x128xf32, #tpu.memory_space<vmem>> -> memref<256x128xf32, #tpu.memory_space<vmem>>
    %dma_wait3A_212 = tpu.memref_slice %arg2[%rem3A_30, %multiple_of3A, %multiple_of3A_37] : memref<8x1144x768xf32, #tpu.memory_space<hbm>> -> memref<1x376x128xf32, #tpu.memory_space<hbm>>
    %dma_wait3A_213 = tpu.memref_squeeze %dma_wait3A_212 : memref<1x376x128xf32, #tpu.memory_space<hbm>> -> memref<376x128xf32, #tpu.memory_space<hbm>>
    %dma_wait3A_214 = arith.constant 0 : i32
    %dma_wait3A_215 = arith.constant 0 : i32
    %dma_wait3A_216 = tpu.memref_slice %arg4[%dma_wait3A_214, %dma_wait3A_215] : memref<376x128xf32, #tpu.memory_space<vmem>> -> memref<256x128xf32, #tpu.memory_space<vmem>>
    %dma_wait3A_217 = tpu.memref_slice %arg2[%rem3A_30, %multiple_of3A, %multiple_of3A_37] : memref<8x1144x768xf32, #tpu.memory_space<hbm>> -> memref<1x376x128xf32, #tpu.memory_space<hbm>>
    %dma_wait3A_218 = tpu.memref_squeeze %dma_wait3A_217 : memref<1x376x128xf32, #tpu.memory_space<hbm>> -> memref<376x128xf32, #tpu.memory_space<hbm>>
    tpu.wait_dma2 semaphore(%arg8 : memref<!tpu.dma_semaphore, #tpu.memory_space<semaphore_mem>>) src(%dma_wait3A_218 : memref<376x128xf32, #tpu.memory_space<hbm>>) dst(%dma_wait3A_216 : memref<256x128xf32, #tpu.memory_space<vmem>>)
    %dma_wait3A_219 = arith.constant 0 : i32
    %dma_wait3A_220 = arith.constant 0 : i32
    %dma_wait3A_221 = tpu.memref_slice %arg4[%dma_wait3A_219, %dma_wait3A_220] : memref<376x128xf32, #tpu.memory_space<vmem>> -> memref<256x128xf32, #tpu.memory_space<vmem>>
    %dma_wait3A_222 = tpu.memref_slice %arg2[%rem3A_30, %multiple_of3A, %multiple_of3A_37] : memref<8x1144x768xf32, #tpu.memory_space<hbm>> -> memref<1x376x128xf32, #tpu.memory_space<hbm>>
    %dma_wait3A_223 = tpu.memref_squeeze %dma_wait3A_222 : memref<1x376x128xf32, #tpu.memory_space<hbm>> -> memref<376x128xf32, #tpu.memory_space<hbm>>
    %dma_wait3A_224 = arith.constant 0 : i32
    %dma_wait3A_225 = arith.constant 0 : i32
    %dma_wait3A_226 = tpu.memref_slice %arg4[%dma_wait3A_224, %dma_wait3A_225] : memref<376x128xf32, #tpu.memory_space<vmem>> -> memref<256x128xf32, #tpu.memory_space<vmem>>
    %dma_wait3A_227 = tpu.memref_slice %arg2[%rem3A_30, %multiple_of3A, %multiple_of3A_37] : memref<8x1144x768xf32, #tpu.memory_space<hbm>> -> memref<1x376x128xf32, #tpu.memory_space<hbm>>
    %dma_wait3A_228 = tpu.memref_squeeze %dma_wait3A_227 : memref<1x376x128xf32, #tpu.memory_space<hbm>> -> memref<376x128xf32, #tpu.memory_space<hbm>>
    tpu.wait_dma2 semaphore(%arg8 : memref<!tpu.dma_semaphore, #tpu.memory_space<semaphore_mem>>) src(%dma_wait3A_228 : memref<376x128xf32, #tpu.memory_space<hbm>>) dst(%dma_wait3A_226 : memref<256x128xf32, #tpu.memory_space<vmem>>)
    %dma_wait3A_229 = arith.constant 0 : i32
    %dma_wait3A_230 = arith.constant 0 : i32
    %dma_wait3A_231 = tpu.memref_slice %arg5[%dma_wait3A_229, %dma_wait3A_230] : memref<376x128xf32, #tpu.memory_space<vmem>> -> memref<256x128xf32, #tpu.memory_space<vmem>>
    %dma_wait3A_232 = tpu.memref_slice %arg2[%rem3A_30, %multiple_of3A, %multiple_of3A_37] : memref<8x1144x768xf32, #tpu.memory_space<hbm>> -> memref<1x376x128xf32, #tpu.memory_space<hbm>>
    %dma_wait3A_233 = tpu.memref_squeeze %dma_wait3A_232 : memref<1x376x128xf32, #tpu.memory_space<hbm>> -> memref<376x128xf32, #tpu.memory_space<hbm>>
    %dma_wait3A_234 = arith.constant 0 : i32
    %dma_wait3A_235 = arith.constant 0 : i32
    %dma_wait3A_236 = tpu.memref_slice %arg5[%dma_wait3A_234, %dma_wait3A_235] : memref<376x128xf32, #tpu.memory_space<vmem>> -> memref<256x128xf32, #tpu.memory_space<vmem>>
    %dma_wait3A_237 = tpu.memref_slice %arg2[%rem3A_30, %multiple_of3A, %multiple_of3A_37] : memref<8x1144x768xf32, #tpu.memory_space<hbm>> -> memref<1x376x128xf32, #tpu.memory_space<hbm>>
    %dma_wait3A_238 = tpu.memref_squeeze %dma_wait3A_237 : memref<1x376x128xf32, #tpu.memory_space<hbm>> -> memref<376x128xf32, #tpu.memory_space<hbm>>
    tpu.wait_dma2 semaphore(%arg9 : memref<!tpu.dma_semaphore, #tpu.memory_space<semaphore_mem>>) src(%dma_wait3A_238 : memref<376x128xf32, #tpu.memory_space<hbm>>) dst(%dma_wait3A_236 : memref<256x128xf32, #tpu.memory_space<vmem>>)
    %dma_wait3A_239 = arith.constant 0 : i32
    %dma_wait3A_240 = arith.constant 0 : i32
    %dma_wait3A_241 = tpu.memref_slice %arg5[%dma_wait3A_239, %dma_wait3A_240] : memref<376x128xf32, #tpu.memory_space<vmem>> -> memref<256x128xf32, #tpu.memory_space<vmem>>
    %dma_wait3A_242 = tpu.memref_slice %arg2[%rem3A_30, %multiple_of3A, %multiple_of3A_37] : memref<8x1144x768xf32, #tpu.memory_space<hbm>> -> memref<1x376x128xf32, #tpu.memory_space<hbm>>
    %dma_wait3A_243 = tpu.memref_squeeze %dma_wait3A_242 : memref<1x376x128xf32, #tpu.memory_space<hbm>> -> memref<376x128xf32, #tpu.memory_space<hbm>>
    %dma_wait3A_244 = arith.constant 0 : i32
    %dma_wait3A_245 = arith.constant 0 : i32
    %dma_wait3A_246 = tpu.memref_slice %arg5[%dma_wait3A_244, %dma_wait3A_245] : memref<376x128xf32, #tpu.memory_space<vmem>> -> memref<256x128xf32, #tpu.memory_space<vmem>>
    %dma_wait3A_247 = tpu.memref_slice %arg2[%rem3A_30, %multiple_of3A, %multiple_of3A_37] : memref<8x1144x768xf32, #tpu.memory_space<hbm>> -> memref<1x376x128xf32, #tpu.memory_space<hbm>>
    %dma_wait3A_248 = tpu.memref_squeeze %dma_wait3A_247 : memref<1x376x128xf32, #tpu.memory_space<hbm>> -> memref<376x128xf32, #tpu.memory_space<hbm>>
    tpu.wait_dma2 semaphore(%arg9 : memref<!tpu.dma_semaphore, #tpu.memory_space<semaphore_mem>>) src(%dma_wait3A_248 : memref<376x128xf32, #tpu.memory_space<hbm>>) dst(%dma_wait3A_246 : memref<256x128xf32, #tpu.memory_space<vmem>>)
    %dma_wait3A_249 = arith.constant 0 : i32
    %dma_wait3A_250 = arith.constant 0 : i32
    %dma_wait3A_251 = tpu.memref_slice %arg5[%dma_wait3A_249, %dma_wait3A_250] : memref<376x128xf32, #tpu.memory_space<vmem>> -> memref<256x128xf32, #tpu.memory_space<vmem>>
    %dma_wait3A_252 = tpu.memref_slice %arg2[%rem3A_30, %multiple_of3A, %multiple_of3A_37] : memref<8x1144x768xf32, #tpu.memory_space<hbm>> -> memref<1x376x128xf32, #tpu.memory_space<hbm>>
    %dma_wait3A_253 = tpu.memref_squeeze %dma_wait3A_252 : memref<1x376x128xf32, #tpu.memory_space<hbm>> -> memref<376x128xf32, #tpu.memory_space<hbm>>
    %dma_wait3A_254 = arith.constant 0 : i32
    %dma_wait3A_255 = arith.constant 0 : i32
    %dma_wait3A_256 = tpu.memref_slice %arg5[%dma_wait3A_254, %dma_wait3A_255] : memref<376x128xf32, #tpu.memory_space<vmem>> -> memref<256x128xf32, #tpu.memory_space<vmem>>
    %dma_wait3A_257 = tpu.memref_slice %arg2[%rem3A_30, %multiple_of3A, %multiple_of3A_37] : memref<8x1144x768xf32, #tpu.memory_space<hbm>> -> memref<1x376x128xf32, #tpu.memory_space<hbm>>
    %dma_wait3A_258 = tpu.memref_squeeze %dma_wait3A_257 : memref<1x376x128xf32, #tpu.memory_space<hbm>> -> memref<376x128xf32, #tpu.memory_space<hbm>>
    tpu.wait_dma2 semaphore(%arg9 : memref<!tpu.dma_semaphore, #tpu.memory_space<semaphore_mem>>) src(%dma_wait3A_258 : memref<376x128xf32, #tpu.memory_space<hbm>>) dst(%dma_wait3A_256 : memref<256x128xf32, #tpu.memory_space<vmem>>)
    %dma_wait3A_259 = arith.constant 0 : i32
    %dma_wait3A_260 = arith.constant 0 : i32
    %dma_wait3A_261 = tpu.memref_slice %arg5[%dma_wait3A_259, %dma_wait3A_260] : memref<376x128xf32, #tpu.memory_space<vmem>> -> memref<256x128xf32, #tpu.memory_space<vmem>>
    %dma_wait3A_262 = tpu.memref_slice %arg2[%rem3A_30, %multiple_of3A, %multiple_of3A_37] : memref<8x1144x768xf32, #tpu.memory_space<hbm>> -> memref<1x376x128xf32, #tpu.memory_space<hbm>>
    %dma_wait3A_263 = tpu.memref_squeeze %dma_wait3A_262 : memref<1x376x128xf32, #tpu.memory_space<hbm>> -> memref<376x128xf32, #tpu.memory_space<hbm>>
    %dma_wait3A_264 = arith.constant 0 : i32
    %dma_wait3A_265 = arith.constant 0 : i32
    %dma_wait3A_266 = tpu.memref_slice %arg5[%dma_wait3A_264, %dma_wait3A_265] : memref<376x128xf32, #tpu.memory_space<vmem>> -> memref<256x128xf32, #tpu.memory_space<vmem>>
    %dma_wait3A_267 = tpu.memref_slice %arg2[%rem3A_30, %multiple_of3A, %multiple_of3A_37] : memref<8x1144x768xf32, #tpu.memory_space<hbm>> -> memref<1x376x128xf32, #tpu.memory_space<hbm>>
    %dma_wait3A_268 = tpu.memref_squeeze %dma_wait3A_267 : memref<1x376x128xf32, #tpu.memory_space<hbm>> -> memref<376x128xf32, #tpu.memory_space<hbm>>
    tpu.wait_dma2 semaphore(%arg9 : memref<!tpu.dma_semaphore, #tpu.memory_space<semaphore_mem>>) src(%dma_wait3A_268 : memref<376x128xf32, #tpu.memory_space<hbm>>) dst(%dma_wait3A_266 : memref<256x128xf32, #tpu.memory_space<vmem>>)
    %dma_wait3A_269 = arith.constant 0 : i32
    %dma_wait3A_270 = arith.constant 0 : i32
    %dma_wait3A_271 = tpu.memref_slice %arg5[%dma_wait3A_269, %dma_wait3A_270] : memref<376x128xf32, #tpu.memory_space<vmem>> -> memref<256x128xf32, #tpu.memory_space<vmem>>
    %dma_wait3A_272 = tpu.memref_slice %arg2[%rem3A_30, %multiple_of3A, %multiple_of3A_37] : memref<8x1144x768xf32, #tpu.memory_space<hbm>> -> memref<1x376x128xf32, #tpu.memory_space<hbm>>
    %dma_wait3A_273 = tpu.memref_squeeze %dma_wait3A_272 : memref<1x376x128xf32, #tpu.memory_space<hbm>> -> memref<376x128xf32, #tpu.memory_space<hbm>>
    %dma_wait3A_274 = arith.constant 0 : i32
    %dma_wait3A_275 = arith.constant 0 : i32
    %dma_wait3A_276 = tpu.memref_slice %arg5[%dma_wait3A_274, %dma_wait3A_275] : memref<376x128xf32, #tpu.memory_space<vmem>> -> memref<256x128xf32, #tpu.memory_space<vmem>>
    %dma_wait3A_277 = tpu.memref_slice %arg2[%rem3A_30, %multiple_of3A, %multiple_of3A_37] : memref<8x1144x768xf32, #tpu.memory_space<hbm>> -> memref<1x376x128xf32, #tpu.memory_space<hbm>>
    %dma_wait3A_278 = tpu.memref_squeeze %dma_wait3A_277 : memref<1x376x128xf32, #tpu.memory_space<hbm>> -> memref<376x128xf32, #tpu.memory_space<hbm>>
    tpu.wait_dma2 semaphore(%arg9 : memref<!tpu.dma_semaphore, #tpu.memory_space<semaphore_mem>>) src(%dma_wait3A_278 : memref<376x128xf32, #tpu.memory_space<hbm>>) dst(%dma_wait3A_276 : memref<256x128xf32, #tpu.memory_space<vmem>>)
    %dma_wait3A_279 = arith.constant 0 : i32
    %dma_wait3A_280 = arith.constant 0 : i32
    %dma_wait3A_281 = tpu.memref_slice %arg5[%dma_wait3A_279, %dma_wait3A_280] : memref<376x128xf32, #tpu.memory_space<vmem>> -> memref<256x128xf32, #tpu.memory_space<vmem>>
    %dma_wait3A_282 = tpu.memref_slice %arg2[%rem3A_30, %multiple_of3A, %multiple_of3A_37] : memref<8x1144x768xf32, #tpu.memory_space<hbm>> -> memref<1x376x128xf32, #tpu.memory_space<hbm>>
    %dma_wait3A_283 = tpu.memref_squeeze %dma_wait3A_282 : memref<1x376x128xf32, #tpu.memory_space<hbm>> -> memref<376x128xf32, #tpu.memory_space<hbm>>
    %dma_wait3A_284 = arith.constant 0 : i32
    %dma_wait3A_285 = arith.constant 0 : i32
    %dma_wait3A_286 = tpu.memref_slice %arg5[%dma_wait3A_284, %dma_wait3A_285] : memref<376x128xf32, #tpu.memory_space<vmem>> -> memref<256x128xf32, #tpu.memory_space<vmem>>
    %dma_wait3A_287 = tpu.memref_slice %arg2[%rem3A_30, %multiple_of3A, %multiple_of3A_37] : memref<8x1144x768xf32, #tpu.memory_space<hbm>> -> memref<1x376x128xf32, #tpu.memory_space<hbm>>
    %dma_wait3A_288 = tpu.memref_squeeze %dma_wait3A_287 : memref<1x376x128xf32, #tpu.memory_space<hbm>> -> memref<376x128xf32, #tpu.memory_space<hbm>>
    tpu.wait_dma2 semaphore(%arg9 : memref<!tpu.dma_semaphore, #tpu.memory_space<semaphore_mem>>) src(%dma_wait3A_288 : memref<376x128xf32, #tpu.memory_space<hbm>>) dst(%dma_wait3A_286 : memref<256x128xf32, #tpu.memory_space<vmem>>)
    %dma_wait3A_289 = arith.constant 0 : i32
    %dma_wait3A_290 = arith.constant 0 : i32
    %dma_wait3A_291 = tpu.memref_slice %arg5[%dma_wait3A_289, %dma_wait3A_290] : memref<376x128xf32, #tpu.memory_space<vmem>> -> memref<256x128xf32, #tpu.memory_space<vmem>>
    %dma_wait3A_292 = tpu.memref_slice %arg2[%rem3A_30, %multiple_of3A, %multiple_of3A_37] : memref<8x1144x768xf32, #tpu.memory_space<hbm>> -> memref<1x376x128xf32, #tpu.memory_space<hbm>>
    %dma_wait3A_293 = tpu.memref_squeeze %dma_wait3A_292 : memref<1x376x128xf32, #tpu.memory_space<hbm>> -> memref<376x128xf32, #tpu.memory_space<hbm>>
    %dma_wait3A_294 = arith.constant 0 : i32
    %dma_wait3A_295 = arith.constant 0 : i32
    %dma_wait3A_296 = tpu.memref_slice %arg5[%dma_wait3A_294, %dma_wait3A_295] : memref<376x128xf32, #tpu.memory_space<vmem>> -> memref<256x128xf32, #tpu.memory_space<vmem>>
    %dma_wait3A_297 = tpu.memref_slice %arg2[%rem3A_30, %multiple_of3A, %multiple_of3A_37] : memref<8x1144x768xf32, #tpu.memory_space<hbm>> -> memref<1x376x128xf32, #tpu.memory_space<hbm>>
    %dma_wait3A_298 = tpu.memref_squeeze %dma_wait3A_297 : memref<1x376x128xf32, #tpu.memory_space<hbm>> -> memref<376x128xf32, #tpu.memory_space<hbm>>
    tpu.wait_dma2 semaphore(%arg9 : memref<!tpu.dma_semaphore, #tpu.memory_space<semaphore_mem>>) src(%dma_wait3A_298 : memref<376x128xf32, #tpu.memory_space<hbm>>) dst(%dma_wait3A_296 : memref<256x128xf32, #tpu.memory_space<vmem>>)
    %dma_wait3A_299 = arith.constant 0 : i32
    %dma_wait3A_300 = arith.constant 0 : i32
    %dma_wait3A_301 = tpu.memref_slice %arg5[%dma_wait3A_299, %dma_wait3A_300] : memref<376x128xf32, #tpu.memory_space<vmem>> -> memref<256x128xf32, #tpu.memory_space<vmem>>
    %dma_wait3A_302 = tpu.memref_slice %arg2[%rem3A_30, %multiple_of3A, %multiple_of3A_37] : memref<8x1144x768xf32, #tpu.memory_space<hbm>> -> memref<1x376x128xf32, #tpu.memory_space<hbm>>
    %dma_wait3A_303 = tpu.memref_squeeze %dma_wait3A_302 : memref<1x376x128xf32, #tpu.memory_space<hbm>> -> memref<376x128xf32, #tpu.memory_space<hbm>>
    %dma_wait3A_304 = arith.constant 0 : i32
    %dma_wait3A_305 = arith.constant 0 : i32
    %dma_wait3A_306 = tpu.memref_slice %arg5[%dma_wait3A_304, %dma_wait3A_305] : memref<376x128xf32, #tpu.memory_space<vmem>> -> memref<256x128xf32, #tpu.memory_space<vmem>>
    %dma_wait3A_307 = tpu.memref_slice %arg2[%rem3A_30, %multiple_of3A, %multiple_of3A_37] : memref<8x1144x768xf32, #tpu.memory_space<hbm>> -> memref<1x376x128xf32, #tpu.memory_space<hbm>>
    %dma_wait3A_308 = tpu.memref_squeeze %dma_wait3A_307 : memref<1x376x128xf32, #tpu.memory_space<hbm>> -> memref<376x128xf32, #tpu.memory_space<hbm>>
    tpu.wait_dma2 semaphore(%arg9 : memref<!tpu.dma_semaphore, #tpu.memory_space<semaphore_mem>>) src(%dma_wait3A_308 : memref<376x128xf32, #tpu.memory_space<hbm>>) dst(%dma_wait3A_306 : memref<256x128xf32, #tpu.memory_space<vmem>>)
    %dma_wait3A_309 = arith.constant 0 : i32
    %dma_wait3A_310 = arith.constant 0 : i32
    %dma_wait3A_311 = tpu.memref_slice %arg5[%dma_wait3A_309, %dma_wait3A_310] : memref<376x128xf32, #tpu.memory_space<vmem>> -> memref<256x128xf32, #tpu.memory_space<vmem>>
    %dma_wait3A_312 = tpu.memref_slice %arg2[%rem3A_30, %multiple_of3A, %multiple_of3A_37] : memref<8x1144x768xf32, #tpu.memory_space<hbm>> -> memref<1x376x128xf32, #tpu.memory_space<hbm>>
    %dma_wait3A_313 = tpu.memref_squeeze %dma_wait3A_312 : memref<1x376x128xf32, #tpu.memory_space<hbm>> -> memref<376x128xf32, #tpu.memory_space<hbm>>
    %dma_wait3A_314 = arith.constant 0 : i32
    %dma_wait3A_315 = arith.constant 0 : i32
    %dma_wait3A_316 = tpu.memref_slice %arg5[%dma_wait3A_314, %dma_wait3A_315] : memref<376x128xf32, #tpu.memory_space<vmem>> -> memref<256x128xf32, #tpu.memory_space<vmem>>
    %dma_wait3A_317 = tpu.memref_slice %arg2[%rem3A_30, %multiple_of3A, %multiple_of3A_37] : memref<8x1144x768xf32, #tpu.memory_space<hbm>> -> memref<1x376x128xf32, #tpu.memory_space<hbm>>
    %dma_wait3A_318 = tpu.memref_squeeze %dma_wait3A_317 : memref<1x376x128xf32, #tpu.memory_space<hbm>> -> memref<376x128xf32, #tpu.memory_space<hbm>>
    tpu.wait_dma2 semaphore(%arg9 : memref<!tpu.dma_semaphore, #tpu.memory_space<semaphore_mem>>) src(%dma_wait3A_318 : memref<376x128xf32, #tpu.memory_space<hbm>>) dst(%dma_wait3A_316 : memref<256x128xf32, #tpu.memory_space<vmem>>)
    %dma_wait3A_319 = arith.constant 0 : i32
    %dma_wait3A_320 = arith.constant 0 : i32
    %dma_wait3A_321 = tpu.memref_slice %arg5[%dma_wait3A_319, %dma_wait3A_320] : memref<376x128xf32, #tpu.memory_space<vmem>> -> memref<256x128xf32, #tpu.memory_space<vmem>>
    %dma_wait3A_322 = tpu.memref_slice %arg2[%rem3A_30, %multiple_of3A, %multiple_of3A_37] : memref<8x1144x768xf32, #tpu.memory_space<hbm>> -> memref<1x376x128xf32, #tpu.memory_space<hbm>>
    %dma_wait3A_323 = tpu.memref_squeeze %dma_wait3A_322 : memref<1x376x128xf32, #tpu.memory_space<hbm>> -> memref<376x128xf32, #tpu.memory_space<hbm>>
    %dma_wait3A_324 = arith.constant 0 : i32
    %dma_wait3A_325 = arith.constant 0 : i32
    %dma_wait3A_326 = tpu.memref_slice %arg5[%dma_wait3A_324, %dma_wait3A_325] : memref<376x128xf32, #tpu.memory_space<vmem>> -> memref<256x128xf32, #tpu.memory_space<vmem>>
    %dma_wait3A_327 = tpu.memref_slice %arg2[%rem3A_30, %multiple_of3A, %multiple_of3A_37] : memref<8x1144x768xf32, #tpu.memory_space<hbm>> -> memref<1x376x128xf32, #tpu.memory_space<hbm>>
    %dma_wait3A_328 = tpu.memref_squeeze %dma_wait3A_327 : memref<1x376x128xf32, #tpu.memory_space<hbm>> -> memref<376x128xf32, #tpu.memory_space<hbm>>
    tpu.wait_dma2 semaphore(%arg9 : memref<!tpu.dma_semaphore, #tpu.memory_space<semaphore_mem>>) src(%dma_wait3A_328 : memref<376x128xf32, #tpu.memory_space<hbm>>) dst(%dma_wait3A_326 : memref<256x128xf32, #tpu.memory_space<vmem>>)
    %dma_wait3A_329 = arith.constant 0 : i32
    %dma_wait3A_330 = arith.constant 0 : i32
    %dma_wait3A_331 = tpu.memref_slice %arg5[%dma_wait3A_329, %dma_wait3A_330] : memref<376x128xf32, #tpu.memory_space<vmem>> -> memref<256x128xf32, #tpu.memory_space<vmem>>
    %dma_wait3A_332 = tpu.memref_slice %arg2[%rem3A_30, %multiple_of3A, %multiple_of3A_37] : memref<8x1144x768xf32, #tpu.memory_space<hbm>> -> memref<1x376x128xf32, #tpu.memory_space<hbm>>
    %dma_wait3A_333 = tpu.memref_squeeze %dma_wait3A_332 : memref<1x376x128xf32, #tpu.memory_space<hbm>> -> memref<376x128xf32, #tpu.memory_space<hbm>>
    %dma_wait3A_334 = arith.constant 0 : i32
    %dma_wait3A_335 = arith.constant 0 : i32
    %dma_wait3A_336 = tpu.memref_slice %arg5[%dma_wait3A_334, %dma_wait3A_335] : memref<376x128xf32, #tpu.memory_space<vmem>> -> memref<256x128xf32, #tpu.memory_space<vmem>>
    %dma_wait3A_337 = tpu.memref_slice %arg2[%rem3A_30, %multiple_of3A, %multiple_of3A_37] : memref<8x1144x768xf32, #tpu.memory_space<hbm>> -> memref<1x376x128xf32, #tpu.memory_space<hbm>>
    %dma_wait3A_338 = tpu.memref_squeeze %dma_wait3A_337 : memref<1x376x128xf32, #tpu.memory_space<hbm>> -> memref<376x128xf32, #tpu.memory_space<hbm>>
    tpu.wait_dma2 semaphore(%arg9 : memref<!tpu.dma_semaphore, #tpu.memory_space<semaphore_mem>>) src(%dma_wait3A_338 : memref<376x128xf32, #tpu.memory_space<hbm>>) dst(%dma_wait3A_336 : memref<256x128xf32, #tpu.memory_space<vmem>>)
    %dma_wait3A_339 = arith.constant 0 : i32
    %dma_wait3A_340 = arith.constant 0 : i32
    %dma_wait3A_341 = tpu.memref_slice %arg5[%dma_wait3A_339, %dma_wait3A_340] : memref<376x128xf32, #tpu.memory_space<vmem>> -> memref<256x128xf32, #tpu.memory_space<vmem>>
    %dma_wait3A_342 = tpu.memref_slice %arg2[%rem3A_30, %multiple_of3A, %multiple_of3A_37] : memref<8x1144x768xf32, #tpu.memory_space<hbm>> -> memref<1x376x128xf32, #tpu.memory_space<hbm>>
    %dma_wait3A_343 = tpu.memref_squeeze %dma_wait3A_342 : memref<1x376x128xf32, #tpu.memory_space<hbm>> -> memref<376x128xf32, #tpu.memory_space<hbm>>
    %dma_wait3A_344 = arith.constant 0 : i32
    %dma_wait3A_345 = arith.constant 0 : i32
    %dma_wait3A_346 = tpu.memref_slice %arg5[%dma_wait3A_344, %dma_wait3A_345] : memref<376x128xf32, #tpu.memory_space<vmem>> -> memref<256x128xf32, #tpu.memory_space<vmem>>
    %dma_wait3A_347 = tpu.memref_slice %arg2[%rem3A_30, %multiple_of3A, %multiple_of3A_37] : memref<8x1144x768xf32, #tpu.memory_space<hbm>> -> memref<1x376x128xf32, #tpu.memory_space<hbm>>
    %dma_wait3A_348 = tpu.memref_squeeze %dma_wait3A_347 : memref<1x376x128xf32, #tpu.memory_space<hbm>> -> memref<376x128xf32, #tpu.memory_space<hbm>>
    tpu.wait_dma2 semaphore(%arg9 : memref<!tpu.dma_semaphore, #tpu.memory_space<semaphore_mem>>) src(%dma_wait3A_348 : memref<376x128xf32, #tpu.memory_space<hbm>>) dst(%dma_wait3A_346 : memref<256x128xf32, #tpu.memory_space<vmem>>)
    %dma_wait3A_349 = arith.constant 0 : i32
    %dma_wait3A_350 = arith.constant 0 : i32
    %dma_wait3A_351 = tpu.memref_slice %arg5[%dma_wait3A_349, %dma_wait3A_350] : memref<376x128xf32, #tpu.memory_space<vmem>> -> memref<256x128xf32, #tpu.memory_space<vmem>>
    %dma_wait3A_352 = tpu.memref_slice %arg2[%rem3A_30, %multiple_of3A, %multiple_of3A_37] : memref<8x1144x768xf32, #tpu.memory_space<hbm>> -> memref<1x376x128xf32, #tpu.memory_space<hbm>>
    %dma_wait3A_353 = tpu.memref_squeeze %dma_wait3A_352 : memref<1x376x128xf32, #tpu.memory_space<hbm>> -> memref<376x128xf32, #tpu.memory_space<hbm>>
    %dma_wait3A_354 = arith.constant 0 : i32
    %dma_wait3A_355 = arith.constant 0 : i32
    %dma_wait3A_356 = tpu.memref_slice %arg5[%dma_wait3A_354, %dma_wait3A_355] : memref<376x128xf32, #tpu.memory_space<vmem>> -> memref<256x128xf32, #tpu.memory_space<vmem>>
    %dma_wait3A_357 = tpu.memref_slice %arg2[%rem3A_30, %multiple_of3A, %multiple_of3A_37] : memref<8x1144x768xf32, #tpu.memory_space<hbm>> -> memref<1x376x128xf32, #tpu.memory_space<hbm>>
    %dma_wait3A_358 = tpu.memref_squeeze %dma_wait3A_357 : memref<1x376x128xf32, #tpu.memory_space<hbm>> -> memref<376x128xf32, #tpu.memory_space<hbm>>
    tpu.wait_dma2 semaphore(%arg9 : memref<!tpu.dma_semaphore, #tpu.memory_space<semaphore_mem>>) src(%dma_wait3A_358 : memref<376x128xf32, #tpu.memory_space<hbm>>) dst(%dma_wait3A_356 : memref<256x128xf32, #tpu.memory_space<vmem>>)
    %dma_wait3A_359 = arith.constant 0 : i32
    %dma_wait3A_360 = arith.constant 0 : i32
    %dma_wait3A_361 = tpu.memref_slice %arg5[%dma_wait3A_359, %dma_wait3A_360] : memref<376x128xf32, #tpu.memory_space<vmem>> -> memref<256x128xf32, #tpu.memory_space<vmem>>
    %dma_wait3A_362 = tpu.memref_slice %arg2[%rem3A_30, %multiple_of3A, %multiple_of3A_37] : memref<8x1144x768xf32, #tpu.memory_space<hbm>> -> memref<1x376x128xf32, #tpu.memory_space<hbm>>
    %dma_wait3A_363 = tpu.memref_squeeze %dma_wait3A_362 : memref<1x376x128xf32, #tpu.memory_space<hbm>> -> memref<376x128xf32, #tpu.memory_space<hbm>>
    %dma_wait3A_364 = arith.constant 0 : i32
    %dma_wait3A_365 = arith.constant 0 : i32
    %dma_wait3A_366 = tpu.memref_slice %arg5[%dma_wait3A_364, %dma_wait3A_365] : memref<376x128xf32, #tpu.memory_space<vmem>> -> memref<256x128xf32, #tpu.memory_space<vmem>>
    %dma_wait3A_367 = tpu.memref_slice %arg2[%rem3A_30, %multiple_of3A, %multiple_of3A_37] : memref<8x1144x768xf32, #tpu.memory_space<hbm>> -> memref<1x376x128xf32, #tpu.memory_space<hbm>>
    %dma_wait3A_368 = tpu.memref_squeeze %dma_wait3A_367 : memref<1x376x128xf32, #tpu.memory_space<hbm>> -> memref<376x128xf32, #tpu.memory_space<hbm>>
    tpu.wait_dma2 semaphore(%arg9 : memref<!tpu.dma_semaphore, #tpu.memory_space<semaphore_mem>>) src(%dma_wait3A_368 : memref<376x128xf32, #tpu.memory_space<hbm>>) dst(%dma_wait3A_366 : memref<256x128xf32, #tpu.memory_space<vmem>>)
    %dma_wait3A_369 = arith.constant 0 : i32
    %dma_wait3A_370 = arith.constant 0 : i32
    %dma_wait3A_371 = tpu.memref_slice %arg5[%dma_wait3A_369, %dma_wait3A_370] : memref<376x128xf32, #tpu.memory_space<vmem>> -> memref<256x128xf32, #tpu.memory_space<vmem>>
    %dma_wait3A_372 = tpu.memref_slice %arg2[%rem3A_30, %multiple_of3A, %multiple_of3A_37] : memref<8x1144x768xf32, #tpu.memory_space<hbm>> -> memref<1x376x128xf32, #tpu.memory_space<hbm>>
    %dma_wait3A_373 = tpu.memref_squeeze %dma_wait3A_372 : memref<1x376x128xf32, #tpu.memory_space<hbm>> -> memref<376x128xf32, #tpu.memory_space<hbm>>
    %dma_wait3A_374 = arith.constant 0 : i32
    %dma_wait3A_375 = arith.constant 0 : i32
    %dma_wait3A_376 = tpu.memref_slice %arg5[%dma_wait3A_374, %dma_wait3A_375] : memref<376x128xf32, #tpu.memory_space<vmem>> -> memref<256x128xf32, #tpu.memory_space<vmem>>
    %dma_wait3A_377 = tpu.memref_slice %arg2[%rem3A_30, %multiple_of3A, %multiple_of3A_37] : memref<8x1144x768xf32, #tpu.memory_space<hbm>> -> memref<1x376x128xf32, #tpu.memory_space<hbm>>
    %dma_wait3A_378 = tpu.memref_squeeze %dma_wait3A_377 : memref<1x376x128xf32, #tpu.memory_space<hbm>> -> memref<376x128xf32, #tpu.memory_space<hbm>>
    tpu.wait_dma2 semaphore(%arg9 : memref<!tpu.dma_semaphore, #tpu.memory_space<semaphore_mem>>) src(%dma_wait3A_378 : memref<376x128xf32, #tpu.memory_space<hbm>>) dst(%dma_wait3A_376 : memref<256x128xf32, #tpu.memory_space<vmem>>)
    %dma_wait3A_379 = arith.constant 0 : i32
    %dma_wait3A_380 = arith.constant 0 : i32
    %dma_wait3A_381 = tpu.memref_slice %arg5[%dma_wait3A_379, %dma_wait3A_380] : memref<376x128xf32, #tpu.memory_space<vmem>> -> memref<256x128xf32, #tpu.memory_space<vmem>>
    %dma_wait3A_382 = tpu.memref_slice %arg2[%rem3A_30, %multiple_of3A, %multiple_of3A_37] : memref<8x1144x768xf32, #tpu.memory_space<hbm>> -> memref<1x376x128xf32, #tpu.memory_space<hbm>>
    %dma_wait3A_383 = tpu.memref_squeeze %dma_wait3A_382 : memref<1x376x128xf32, #tpu.memory_space<hbm>> -> memref<376x128xf32, #tpu.memory_space<hbm>>
    %dma_wait3A_384 = arith.constant 0 : i32
    %dma_wait3A_385 = arith.constant 0 : i32
    %dma_wait3A_386 = tpu.memref_slice %arg5[%dma_wait3A_384, %dma_wait3A_385] : memref<376x128xf32, #tpu.memory_space<vmem>> -> memref<256x128xf32, #tpu.memory_space<vmem>>
    %dma_wait3A_387 = tpu.memref_slice %arg2[%rem3A_30, %multiple_of3A, %multiple_of3A_37] : memref<8x1144x768xf32, #tpu.memory_space<hbm>> -> memref<1x376x128xf32, #tpu.memory_space<hbm>>
    %dma_wait3A_388 = tpu.memref_squeeze %dma_wait3A_387 : memref<1x376x128xf32, #tpu.memory_space<hbm>> -> memref<376x128xf32, #tpu.memory_space<hbm>>
    tpu.wait_dma2 semaphore(%arg9 : memref<!tpu.dma_semaphore, #tpu.memory_space<semaphore_mem>>) src(%dma_wait3A_388 : memref<376x128xf32, #tpu.memory_space<hbm>>) dst(%dma_wait3A_386 : memref<256x128xf32, #tpu.memory_space<vmem>>)
    return
  }
}

</mosaic_0001>

<sc_bundles>
// kernel: kernel.3.cloned.1.call-start
scs
__scs_entry_jumppad:
0x0: {  	(pc) =	sbr.rel $0x88, $3  }
0x1: {  	(tag) =	ssettag $0x0;
	lr =	simm.s32 $0x1  }
0x2: {  	[smem:$0x3FA0] =	sst lr;
	_ =	strace $0xD0000000  }
0x3: {  	_ = 	snop  }
0x4: {  	_ = 	snop  }
0x5: {  	_ = 	snop  }
0x6: {  	_ = 	snop  }
0x7: {  	_ = 	snop  }
__scs_overlays_trampoline_lowered:
0x8: {  	[smem:$0x3FAF] =	sst s0  }
0x9: {  	[smem:$0x3FB0] =	sst s1  }
0xa: {  	[smem:$0x3FB1] =	sst s2  }
0xb: {  	[smem:$0x3FB2] =	sst s3  }
0xc: {  	[smem:$0x3FB3] =	sst s4  }
0xd: {  	[smem:$0x3FB4] =	sst s5  }
0xe: {  	[smem:$0x3FB5] =	sst s6  }
0xf: {  	[smem:$0x3FB6] =	sst s7  }
0x10: {  	[smem:$0x3FB7] =	sst s8  }
0x11: {  	[smem:$0x3FB8] =	sst s9;
	s0 =	simm.s32 @!p0 $0x0  }
0x12: {  	s1 =	sld [smem:$0x3F9E];
	s0 =	simm.s32 @p0 $0x1  }
0x13: {  	[smem:$0x3FB9] =	sst s0;
	s0 =	simm.s32 @!p1 $0x0  }
0x14: {  	s2 =	sld [smem:$0x3F9D];
	s0 =	simm.s32 @p1 $0x1  }
0x15: {  	[smem:$0x3FBA] =	sst s0;
	s0 =	simm.s32 @!p2 $0x0  }
0x16: {  	s3 =	sld [smem:$0x3FDB];
	s0 =	simm.s32 @p2 $0x1  }
0x17: {  	s4 =	simm.s32 $0x1BF5;
	[smem:$0x3FBC] =	sst s0  }
0x18: {  	s0 =	sld [smem:$0x3F9F];
	_ =	swait.ge [sflag:s4], $0x0  }
0x19: {  	s7 =	sld [smem:$0x3FA0]  }
0x1a: {  	s8 =	sadd.s32 $0xFFFFE003, lr  }
0x1b: {  	s9 =	sadd.s32 $0xFFFFFEF7, lr;
	s5 =	simm.s32 $0xFFFFFFFF;
	p2 =	slt.u32 s8, $0xFFFFF086  }
0x1c: {  	p1 =	slt.u32 s9, $0xF7A;
	s5 =	simm.s32 @!p2 $0x0  }
0x1d: {  	s5 =	simm.s32 @p1 $0x1;
	p0 =	seq.s32 s7, s2  }
0x1e: {  	s7 =	smul.u32 @!p0 $0xF7A, s2;
	p2 =	seq.s32 @!p0 s5, $0x0  }
0x1f: {  	s9 =	smul.u32 $0xF7A, s1;
	s8 =	simm.s32 @!p0 $0x1BF5;
	p2 =	por !p2, p0  }
0x20: {  	[sflag:s8] =	ssyncset.s32 @!p0 $0xFFFFF086;
	s6 =	sadd.s32 @!p0 s3, s7;
	s7 =	simm.s32 @!p0 $0x108  }
0x21: {  	s3 =	sadd.s32 s3, s9;
	s6 =	sadd.s32 @!p0 $0x88, s6;
	s7 =	simm.s32 @p2 $0x1082  }
0x22: {  	[simem:s7], [sflag:s8] =	dma.local @!p0 [hbm:s6], $0xF7A  }
0x23: {  	s9 =	sor.u32 $0xD0000000, s2;
	s6 =	simm.s32 $0x108;
	_ =	swait.ge @!p0 [sflag:s8], $0x0  }
0x24: {  	s3 =	sadd.s32 $0x88, s3;
	s6 =	simm.s32 @!p1 $0x1082;
	[sflag:s4] =	ssyncset.s32 $0xFFFFF086  }
0x25: {  	[simem:s6], [sflag:s4] =	dma.local [hbm:s3], $0xF7A  }
0x26: {  	[smem:$0x3FA0] =	sst s1;
	(tag) =	ssettag s2;
	_ =	strace s9  }
0x27: {  	s1 =	sld [smem:$0x3FB0]  }
0x28: {  	s2 =	sld [smem:$0x3FB1]  }
0x29: {  	s4 =	sld [smem:$0x3FB3]  }
0x2a: {  	p0 =	seq.s32 s5, $0x0;
	s5 =	sld [smem:$0x3FB4]  }
0x2b: {  	s6 =	sld [smem:$0x3FB5]  }
0x2c: {  	s7 =	sld [smem:$0x3FB6]  }
0x2d: {  	s3 =	simm.s32 $0x108;
	s8 =	sld [smem:$0x3FB7]  }
0x2e: {  	s3 =	simm.s32 @!p0 $0x1082;
	s9 =	sld [smem:$0x3FB8]  }
0x2f: {  	lr =	sadd.s32 s0, s3;
	s0 =	sld [smem:$0x3FAF]  }
0x30: {  	s3 =	sld [smem:$0x3FB2]  }
0x31: {  	[smem:$0x3FBB] =	sst s10  }
0x32: {  	s10 =	sld [smem:$0x3FB9];
	_ =	sdelay $0x3  }
0x33: {  	p0 =	seq.s32 s10, $0x1;
	s10 =	sld [smem:$0x3FBB];
	_ =	sdelay $0x3  }
0x34: {  	[smem:$0x3FBB] =	sst s10  }
0x35: {  	s10 =	sld [smem:$0x3FBA];
	_ =	sdelay $0x3  }
0x36: {  	p1 =	seq.s32 s10, $0x1;
	s10 =	sld [smem:$0x3FBB];
	_ =	sdelay $0x3  }
0x37: {  	[smem:$0x3FBB] =	sst s10  }
0x38: {  	s10 =	sld [smem:$0x3FBC]  }
0x39: {  	_ = 	snop;
	(pc) =	sbr.ind lr, $3  }
0x3a: {  	_ = 	snop  }
0x3b: {  	_ = 	snop  }
0x3c: {  	p2 =	seq.s32 s10, $0x1;
	s10 =	sld [smem:$0x3FBB]  }
0x3d: {  	_ =	shalt  }
0x3e: {  	_ =	shalt  }
0x3f: {  	_ =	shalt  }
0x40: {  	_ =	shalt  }
0x41: {  	_ =	shalt  }
0x42: {  	_ =	shalt  }
0x43: {  	_ =	shalt  }
0x44: {  	_ =	shalt  }
0x45: {  	_ =	shalt  }
0x46: {  	_ =	shalt  }
0x47: {  	_ =	shalt  }
0x48: {  	_ =	shalt  }
0x49: {  	_ =	shalt  }
0x4a: {  	_ =	shalt  }
0x4b: {  	_ =	shalt  }
0x4c: {  	_ =	shalt  }
0x4d: {  	_ =	shalt  }
0x4e: {  	_ =	shalt  }
0x4f: {  	_ =	shalt  }
0x50: {  	_ =	shalt  }
0x51: {  	_ =	shalt  }
0x52: {  	_ =	shalt  }
0x53: {  	_ =	shalt  }
0x54: {  	_ =	shalt  }
0x55: {  	_ =	shalt  }
0x56: {  	_ =	shalt  }
0x57: {  	_ =	shalt  }
0x58: {  	_ =	shalt  }
0x59: {  	_ =	shalt  }
0x5a: {  	_ =	shalt  }
0x5b: {  	_ =	shalt  }
0x5c: {  	_ =	shalt  }
0x5d: {  	_ =	shalt  }
0x5e: {  	_ =	shalt  }
0x5f: {  	_ =	shalt  }
0x60: {  	_ =	shalt  }
0x61: {  	_ =	shalt  }
0x62: {  	_ =	shalt  }
0x63: {  	_ =	shalt  }
0x64: {  	_ =	shalt  }
0x65: {  	_ =	shalt  }
0x66: {  	_ =	shalt  }
0x67: {  	_ =	shalt  }
0x68: {  	_ =	shalt  }
0x69: {  	_ =	shalt  }
0x6a: {  	_ =	shalt  }
0x6b: {  	_ =	shalt  }
0x6c: {  	_ =	shalt  }
0x6d: {  	_ =	shalt  }
0x6e: {  	_ =	shalt  }
0x6f: {  	_ =	shalt  }
0x70: {  	_ =	shalt  }
0x71: {  	_ =	shalt  }
0x72: {  	_ =	shalt  }
0x73: {  	_ =	shalt  }
0x74: {  	_ =	shalt  }
0x75: {  	_ =	shalt  }
0x76: {  	_ =	shalt  }
0x77: {  	_ =	shalt  }
0x78: {  	_ =	shalt  }
0x79: {  	_ =	shalt  }
0x7a: {  	_ =	shalt  }
0x7b: {  	_ =	shalt  }
0x7c: {  	_ =	shalt  }
0x7d: {  	_ =	shalt  }
0x7e: {  	_ =	shalt  }
0x7f: {  	_ =	shalt  }
0x80: {  	_ =	shalt  }
0x81: {  	_ =	shalt  }
0x82: {  	_ =	shalt  }
0x83: {  	_ =	shalt  }
0x84: {  	_ =	shalt  }
0x85: {  	_ =	shalt  }
0x86: {  	_ =	shalt  }
0x87: {  	_ =	shalt  }
.Lfunc_end0:
.L_simem_size_0:
called_computation_lowered:
.L_overlay_start_0:
0x88: {  	s2 =	sld [smem:$0x3FD9]  }
0x89: {  	s3 =	sld [smem:$0x3FFE];
	_ =	sdelay $0x1  }
0x8a: {  	s1 =	srdreg.scid  }
0x8b: {  	s0 =	sand.u32 $0x1, s1  }
0x8c: {  	s17 =	sshll.u32 s0, $0xA;
	s2 =	sadd.s32 s3, s2  }
0x8d: {  	s2 =	sadd.s32 s2, s17  }
0x8e: {  	[smem:$0x3FC7] =	sst s2  }
0x8f: {  	_ = 	snop  }
0x90: {  	s2 =	sld [smem:$0x3FD0];
	(tm) =	ssettm $0x1  }
0x91: {  	s18 =	sld [smem:$0x3FFB];
	_ =	sdelay $0x3  }
0x92: {  	_ =	strace s18  }
0x93: {  	s3 =	sld [smem:$0x3FFC];
	_ =	sdelay $0x3  }
0x94: {  	_ =	strace s3  }
0x95: {  	s3 =	sld [smem:$0x3FFD];
	_ =	sdelay $0x3  }
0x96: {  	_ =	strace s3  }
0x97: {  	_ =	strace $0x8FFFFFFF  }
0x98: {  	s19 =	sld [smem:$0x3FDB];
	_ =	sdelay $0x1  }
0x99: {  	s4 =	simm.s32 $_scs_section_size  }
0x9a: {  	s5 =	simm.s32 $_size__tile_overlayer_lowered;
	s6 =	simm.s32 $_tile_overlayer_lowered  }
0x9b: {  	s22 =	simm.s32 $0x1BFF;
	s21 =	sshll.u32 s6, $0x1;
	s3 =	sadd.s32 s4, s19  }
0x9c: {  	s7 =	simm.s32 $0x0;
	s20 =	sshll.u32 s5, $0x1;
	s5 =	sadd.s32 s21, s3  }
0x9d: {  	[timem:s7], [sflag:s22] =	dma.local [hbm:s5], s20  }
0x9e: {  	_ =	swait.ge [sflag:s22], s20  }
0x9f: {  	s4 =	ssub.s32 $0x0, s20;
	[sflag:s22] =	ssyncset.done $0x0  }
0xa0: {  	[sflag:s22] =	ssyncadd.s32 s4;
	_ =	sdelay $0x1  }
0xa1: {  	s23 =	simm.s32 $0x1B8B  }
0xa2: {  	_ =	swait.ge [sflag:s23], $0x1  }
0xa3: {  	[sflag:s23] =	ssyncset.done $0x0  }
0xa4: {  	s25 =	simm.s32 $0x1B8E;
	s24 =	sld [smem:$0x3FFE];
	[sflag:s23] =	ssyncadd.s32 $0xFFFFFFFF  }
0xa5: {  	s26 =	simm.s32 $execute0_lowered;
	[smem:$0x3FD2] =	sst s25  }
0xa6: {  	s5 =	sshll.u32 s26, $0x1;
	_ =	strace $0x80000046;
	[dreg:$0x1] =	wrdreg $0xFFFFFFFF  }
0xa7: {  	s28 =	simm.s32 $_size_execute0_lowered;
	s3 =	sadd.s32 s3, s5;
	[dreg:$0x0] =	wrdreg $0x0  }
0xa8: {  	s5 =	sshll.u32 s28, $0x1;
	[dreg:$0x2] =	wrdreg s3  }
0xa9: {  	[dreg:$0x3] =	wrdreg s5  }
0xaa: {  	[dreg:$0x4] =	wrdreg $0xC0  }
0xab: {  	_ =	task [dreg:s7], $0x5FFFF  }
0xac: {  	[dreg:$0x1] =	wrdreg $0xFFFFFFFF  }
0xad: {  	[dreg:$0x0] =	wrdreg $0x60  }
0xae: {  	[dreg:$0x2] =	wrdreg s24  }
0xaf: {  	[dreg:$0x3] =	wrdreg s2  }
0xb0: {  	[dreg:$0x4] =	wrdreg $0x9  }
0xb1: {  	_ =	task.clear_ibuf [dreg:s7], $0x5FFFF;
	_ =	strace $0x90000046  }
0xb2: {  	s29 =	simm.s32 $0x9;
	_ =	strace $0x80000048  }
0xb3: {  	_ =	swait.ge [sflag:s29], $0x1  }
0xb4: {  	[sflag:s29] =	ssyncadd.s32 $0xFFFFFFFF  }
0xb5: {  	_ =	strace $0x90000048  }
0xb6: {  	_ =	sfence  }
0xb7: {  	s30 =	sld [smem:$0x0];
	_ =	sdelay $0x2  }
0xb8: {  	s31 =	sshll.u32 s1, $0xD;
	s1 =	sshrl.u32 s1, $0x2  }
0xb9: {  	s3 =	sand.u32 $0x4000, s31;
	s1 =	sadd.s32 s1, s30  }
0xba: {  	s0 =	sor.u32 s3, s0;
	s1 =	sshll.u32 s1, $0x11  }
0xbb: {  	s0 =	sor.u32 s1, s0  }
0xbc: {  	s0 =	sadd.s32 $0x8F2B, s0  }
0xbd: {  	[sflag:s0] =	ssyncadd.remote.s32 $0x1  }
0xbe: {  	_ =	sfence.sel $0xFFFF  }
0xbf: {  	[dreg:$0x0] =	wrdreg $0xFFFFFFFF;
	(pc) =	sbr.abs _section_cstart, $3  }
0xc0: {  	[dreg:$0x1] =	wrdreg $0xFFFFFFFF  }
0xc1: {  	_ =	task.clear_ibuf [dreg:s7], $0x2FFFF;
	_ =	strace $0x9FFFFFFF  }
0xc2: {  	(tm) =	ssettm $0x7FFFFFFF  }
0xc3: {  	_ =	shalt  }
tec
execute0_lowered:
.L_overlay_start_1:
0x0: {  	(tag) =	ssettag $0x1  }
0x1: {  	s3 =	stileid.u32  }
0x2: {  	s0 =	srdreg.scid;
	s2 =	sshll.u32 s3, $0x1  }
0x3: {  	s1 =	sand.u32 $0x1, s0;
	s7 =	sshll.u32 s3, $0x5;
	s8 =	sand.u32 $0x6, s2  }
0x4: {  	s12 =	sand.u32 $0x180, s7;
	s0 =	sor.u32 s1, s8  }
0x5: {  	s6 =	rddreg [dreg:$0x0];
	s5 =	sor.u32 s12, s0  }
0x6: {  	s3 =	rddreg [dreg:$0x1];
	s4 =	smul.u32 $0x60000, s5;
	s5 =	simm.s32 $0x0  }
0x7: {  	s24 =	sxor.u32 $0x1F8, s12;
	[smem:$0x7FF] =	sst s5  }
0x8: {  	s25 =	simm.s32 $0x30000;
	_ =	strace $0x80000047;
	[dreg:$0x12] =	wrdreg s24  }
0x9: {  	s26 =	simm.s32 $0x3C00;
	[dreg:$0x13] =	wrdreg s25  }
0xa: {  	s28 =	simm.s32 $0x3800;
	[dreg:$0x14] =	wrdreg s26  }
0xb: {  	s29 =	simm.s32 $0x3400;
	[dreg:$0x15] =	wrdreg s28  }
0xc: {  	s30 =	simm.s32 $0x3000;
	[dreg:$0x16] =	wrdreg s29  }
0xd: {  	s31 =	simm.s32 $0x2C00;
	[dreg:$0x17] =	wrdreg s30  }
0xe: {  	s2 =	simm.s32 $0x2800;
	[dreg:$0x18] =	wrdreg s31  }
0xf: {  	s8 =	simm.s32 $0x2400;
	[dreg:$0x19] =	wrdreg s2  }
0x10: {  	s7 =	sadd.s32 $0x300000, s4;
	[dreg:$0x1a] =	wrdreg s8  }
0x11: {  	s9 =	sadd.s32 $0x600000, s4;
	[dreg:$0x3] =	wrdreg s7  }
0x12: {  	s10 =	sadd.s32 $0x900000, s4;
	[dreg:$0x4] =	wrdreg s9  }
0x13: {  	s11 =	sadd.s32 $0xC00000, s4;
	[dreg:$0x5] =	wrdreg s10  }
0x14: {  	s13 =	sadd.s32 $0xF00000, s4;
	[dreg:$0x6] =	wrdreg s11  }
0x15: {  	s14 =	sadd.s32 $0x1200000, s4;
	[dreg:$0x7] =	wrdreg s13  }
0x16: {  	s15 =	sadd.s32 $0x1500000, s4;
	[dreg:$0x8] =	wrdreg s14  }
0x17: {  	s16 =	sadd.s32 $0x1800000, s4;
	[dreg:$0x9] =	wrdreg s15  }
0x18: {  	s17 =	sadd.s32 $0x1B00000, s4;
	[dreg:$0xa] =	wrdreg s16  }
0x19: {  	s18 =	sadd.s32 $0x1E00000, s4;
	[dreg:$0xb] =	wrdreg s17  }
0x1a: {  	s19 =	sadd.s32 $0x2100000, s4;
	[dreg:$0xc] =	wrdreg s18  }
0x1b: {  	s20 =	sadd.s32 $0x2400000, s4;
	[dreg:$0xd] =	wrdreg s19  }
0x1c: {  	s21 =	sadd.s32 $0x2700000, s4;
	[dreg:$0xe] =	wrdreg s20  }
0x1d: {  	s22 =	sadd.s32 $0x2A00000, s4;
	[dreg:$0xf] =	wrdreg s21  }
0x1e: {  	s23 =	sadd.s32 $0x2D00000, s4;
	[dreg:$0x10] =	wrdreg s22  }
0x1f: {  	s24 =	simm.s32 $0xD800;
	[dreg:$0x11] =	wrdreg s23  }
0x20: {  	s25 =	simm.s32 $0xD400;
	[smem:$0x7F6] =	sst s24  }
0x21: {  	s26 =	simm.s32 $0xD000;
	[smem:$0x7F7] =	sst s25  }
0x22: {  	s28 =	simm.s32 $0xCC00;
	[smem:$0x7F9] =	sst s26  }
0x23: {  	s29 =	simm.s32 $0xC800;
	[smem:$0x7FA] =	sst s28  }
0x24: {  	s30 =	simm.s32 $0xC400;
	[smem:$0x7FB] =	sst s29  }
0x25: {  	s31 =	simm.s32 $0xC000;
	[smem:$0x7FC] =	sst s30  }
0x26: {  	s9 =	simm.s32 $0x2000;
	[smem:$0x7FD] =	sst s31  }
0x27: {  	s10 =	simm.s32 $0x1C00;
	[dreg:$0x1b] =	wrdreg s9  }
0x28: {  	s11 =	simm.s32 $0x1400;
	[dreg:$0x1c] =	wrdreg s10  }
0x29: {  	s13 =	simm.s32 $0x1000;
	[dreg:$0x1d] =	wrdreg s11  }
0x2a: {  	s14 =	simm.s32 $0xC00;
	[dreg:$0x1e] =	wrdreg s13  }
0x2b: {  	s15 =	simm.s32 $0x800;
	[dreg:$0x1f] =	wrdreg s14  }
0x2c: {  	s16 =	simm.s32 $0xF800;
	[smem:$0x7ED] =	sst s15  }
0x2d: {  	s6 =	sadd.s32 $0x1200, s6;
	s17 =	simm.s32 $0xF400;
	[smem:$0x7EE] =	sst s16  }
0x2e: {  	s1 =	ssub.s32 $0x2, s1;
	s18 =	simm.s32 $0xF000;
	[smem:$0x7EF] =	sst s17  }
0x2f: {  	s0 =	sxor.u32 $0x7, s0;
	s19 =	simm.s32 $0xEC00;
	[smem:$0x7F0] =	sst s18  }
0x30: {  	s8 =	sshrl.u32 s1, $0x1;
	s20 =	simm.s32 $0xE800;
	[smem:$0x7F1] =	sst s19  }
0x31: {  	s21 =	simm.s32 $0xE400;
	s22 =	simm.s32 $0xE000;
	[smem:$0x7F2] =	sst s20  }
0x32: {  	s23 =	simm.s32 $0xDC00;
	s1 =	ssub.s32 s1, s8;
	[smem:$0x7F3] =	sst s21  }
0x33: {  	s7 =	smul.u32 $0xD6800, s0;
	s8 =	simm.s32 $0x0;
	[smem:$0x7F4] =	sst s22  }
0x34: {  	[smem:$0x7F5] =	sst s23;
	s1 =	smax.u32 s1, $0x1;
	s9 =	simm.s32 $0x400  }
0x35: {  	s10 =	simm.s32 $0x1800;
	s11 =	simm.s32 $0x1;
	[smem:$0x7F8] =	sst s1  }
.LBB2_1:
0x36: {  	[smem:$0x7EC] =	sst s8  }
0x37: {  	s15 =	simm.s32 $0xFFFFE800;
	s18 =	simm.s32 $0xFFFFFFFB;
	s19 =	simm.s32 $0x0  }
.LBB2_2:
0x38: {  	p0 =	seq.s32 s15, $0xFFFFE800  }
0x39: {  	s0 =	simm.s32 @!p0 $0x3  }
0x3a: {  	_ =	swait.ge @!p0 [sflag:s0], $0x8000  }
0x3b: {  	[sflag:s0] =	ssyncset.done @!p0 $0x0  }
0x3c: {  	[sflag:s0] =	ssyncadd.s32 @!p0 $0xFFFF8000  }
0x3d: {  	_ =	swait.ge @!p0 [sflag:s0], $0x8000  }
0x3e: {  	[sflag:s0] =	ssyncset.done @!p0 $0x0  }
0x3f: {  	[sflag:s0] =	ssyncadd.s32 @!p0 $0xFFFF8000  }
0x40: {  	_ =	swait.ge @!p0 [sflag:s0], $0x8000  }
0x41: {  	[sflag:s0] =	ssyncset.done @!p0 $0x0  }
0x42: {  	[sflag:s0] =	ssyncadd.s32 @!p0 $0xFFFF8000  }
0x43: {  	_ =	swait.ge @!p0 [sflag:s0], $0x8000  }
0x44: {  	[sflag:s0] =	ssyncset.done @!p0 $0x0  }
0x45: {  	[sflag:s0] =	ssyncadd.s32 @!p0 $0xFFFF8000  }
0x46: {  	_ =	swait.ge @!p0 [sflag:s0], $0x8000  }
0x47: {  	[sflag:s0] =	ssyncset.done @!p0 $0x0  }
0x48: {  	[sflag:s0] =	ssyncadd.s32 @!p0 $0xFFFF8000  }
0x49: {  	_ =	swait.ge @!p0 [sflag:s0], $0x8000  }
0x4a: {  	[sflag:s0] =	ssyncset.done @!p0 $0x0  }
0x4b: {  	[sflag:s0] =	ssyncadd.s32 @!p0 $0xFFFF8000  }
0x4c: {  	_ =	swait.ge @!p0 [sflag:s0], $0x8000  }
0x4d: {  	[sflag:s0] =	ssyncset.done @!p0 $0x0  }
0x4e: {  	[sflag:s0] =	ssyncadd.s32 @!p0 $0xFFFF8000  }
0x4f: {  	_ =	swait.ge @!p0 [sflag:s0], $0x8000  }
0x50: {  	[sflag:s0] =	ssyncset.done @!p0 $0x0  }
0x51: {  	[sflag:s0] =	ssyncadd.s32 @!p0 $0xFFFF8000  }
0x52: {  	_ =	swait.ge @!p0 [sflag:s0], $0x8000  }
0x53: {  	[sflag:s0] =	ssyncset.done @!p0 $0x0  }
0x54: {  	[sflag:s0] =	ssyncadd.s32 @!p0 $0xFFFF8000  }
0x55: {  	_ =	swait.ge @!p0 [sflag:s0], $0x8000  }
0x56: {  	[sflag:s0] =	ssyncset.done @!p0 $0x0  }
0x57: {  	[sflag:s0] =	ssyncadd.s32 @!p0 $0xFFFF8000  }
0x58: {  	_ =	swait.ge @!p0 [sflag:s0], $0x8000  }
0x59: {  	[sflag:s0] =	ssyncset.done @!p0 $0x0  }
0x5a: {  	[sflag:s0] =	ssyncadd.s32 @!p0 $0xFFFF8000  }
0x5b: {  	_ =	swait.ge @!p0 [sflag:s0], $0x8000  }
0x5c: {  	[sflag:s0] =	ssyncset.done @!p0 $0x0  }
0x5d: {  	[sflag:s0] =	ssyncadd.s32 @!p0 $0xFFFF8000  }
0x5e: {  	_ =	swait.ge @!p0 [sflag:s0], $0x8000  }
0x5f: {  	[sflag:s0] =	ssyncset.done @!p0 $0x0  }
0x60: {  	p1 =	sgt.u32 s19, $0x2;
	s1 =	simm.s32 $0x100;
	[sflag:s0] =	ssyncadd.s32 @!p0 $0xFFFF8000  }
0x61: {  	s1 =	simm.s32 @!p1 $0x2;
	_ =	swait.ge @!p0 [sflag:s0], $0x8000  }
0x62: {  	p2 =	slt.u32 s19, $0x3;
	s1 =	ssub.s32 s1, s12;
	[sflag:s0] =	ssyncset.done @!p0 $0x0  }
0x63: {  	s8 =	sadd.s32 $0x1800, s15;
	s1 =	sadd.s32 $0x1F8, s1;
	[sflag:s0] =	ssyncadd.s32 @!p0 $0xFFFF8000  }
0x64: {  	s17 =	smov.u32 s15;
	s1 =	sshrl.u32 s1, $0x3;
	_ =	swait.ge @!p0 [sflag:s0], $0x8000  }
0x65: {  	s17 =	smov.u32 @p2 s8;
	s1 =	smul.u32 $0x1800, s1;
	[sflag:s0] =	ssyncset.done @!p0 $0x0  }
0x66: {  	s8 =	sadd.s32 s7, s17;
	[sflag:s0] =	ssyncadd.s32 @!p0 $0xFFFF8000  }
0x67: {  	s1 =	sadd.s32 s1, s8;
	_ =	swait.ge @!p0 [sflag:s0], $0x8000  }
0x68: {  	s1 =	sshrl.u32 s1, $0x3;
	[sflag:s0] =	ssyncset.done @!p0 $0x0  }
0x69: {  	s2 =	sadd.s32 s6, s1;
	[sflag:s0] =	ssyncadd.s32 @!p0 $0xFFFF8000  }
0x6a: {  	[tilespmem:s5], [sflag:$0x1] =	stream.strided.gather [hbm4b:s2+s9], $0xBC00, s10, s9, $0x38;
	[tilespmem:$0x17800] =	vst v63  }
0x6b: {  	_ =	swait.ge [sflag:s11], $0xBC00  }
0x6c: {  	s14 =	rddreg [dreg:$0x13]  }
0x6d: {  	s14 =	simm.s32 @!p1 $0x0  }
0x6e: {  	s16 =	rddreg [dreg:$0x14];
	s20 =	sadd.s32 s4, s14  }
0x6f: {  	[sflag:s11] =	ssyncset.done $0x0;
	s21 =	rddreg [dreg:$0x3];
	s8 =	sadd.s32 s17, s20  }
0x70: {  	s24 =	rddreg [dreg:$0x4];
	s21 =	sadd.s32 s21, s14;
	s0 =	sshrl.u32 s8, $0x3  }
0x71: {  	[sflag:s11] =	ssyncadd.s32 $0xFFFF4400;
	s22 =	sadd.s32 s17, s21;
	s0 =	sadd.s32 s3, s0  }
0x72: {  	[hbm4b:s0+s9] =	stream.strided.scatter [tilespmem:s16], [sflag:$0x3], $0x8000, s10, s9, $0x38;
	[tilespmem:$0x17800] =	vst v63  }
0x73: {  	s23 =	rddreg [dreg:$0x15];
	s0 =	sshrl.u32 s22, $0x3;
	s22 =	sadd.s32 s24, s14  }
0x74: {  	s28 =	rddreg [dreg:$0x5];
	s0 =	sadd.s32 s3, s0;
	s25 =	sadd.s32 s17, s22  }
0x75: {  	[hbm4b:s0+s9] =	stream.strided.scatter [tilespmem:s23], [sflag:$0x3], $0x8000, s10, s9, $0x38;
	[tilespmem:$0x17800] =	vst v63  }
0x76: {  	s26 =	rddreg [dreg:$0x16];
	s0 =	sshrl.u32 s25, $0x3;
	s23 =	sadd.s32 s28, s14  }
0x77: {  	s31 =	rddreg [dreg:$0x6];
	s0 =	sadd.s32 s3, s0;
	s29 =	sadd.s32 s17, s23  }
0x78: {  	[hbm4b:s0+s9] =	stream.strided.scatter [tilespmem:s26], [sflag:$0x3], $0x8000, s10, s9, $0x38;
	[tilespmem:$0x17800] =	vst v63  }
0x79: {  	s30 =	rddreg [dreg:$0x17];
	s24 =	sadd.s32 s31, s14;
	s0 =	sshrl.u32 s29, $0x3  }
0x7a: {  	s11 =	rddreg [dreg:$0x7];
	s2 =	sadd.s32 s17, s24;
	s0 =	sadd.s32 s3, s0  }
0x7b: {  	[hbm4b:s0+s9] =	stream.strided.scatter [tilespmem:s30], [sflag:$0x3], $0x8000, s10, s9, $0x38;
	[tilespmem:$0x17800] =	vst v63  }
0x7c: {  	s25 =	sadd.s32 s11, s14;
	s0 =	sshrl.u32 s2, $0x3  }
0x7d: {  	s8 =	rddreg [dreg:$0x18];
	s16 =	sadd.s32 s17, s25;
	s0 =	sadd.s32 s3, s0  }
0x7e: {  	[hbm4b:s0+s9] =	stream.strided.scatter [tilespmem:s8], [sflag:$0x3], $0x8000, s10, s9, $0x38;
	[tilespmem:$0x17800] =	vst v63  }
0x7f: {  	s28 =	rddreg [dreg:$0x8];
	s0 =	sshrl.u32 s16, $0x3  }
0x80: {  	s26 =	rddreg [dreg:$0x19];
	s0 =	sadd.s32 s3, s0  }
0x81: {  	[hbm4b:s0+s9] =	stream.strided.scatter [tilespmem:s26], [sflag:$0x3], $0x8000, s10, s9, $0x38;
	[tilespmem:$0x17800] =	vst v63  }
0x82: {  	s26 =	sadd.s32 s28, s14  }
0x83: {  	s31 =	rddreg [dreg:$0x9];
	s29 =	sadd.s32 s17, s26  }
0x84: {  	s11 =	rddreg [dreg:$0xa];
	s28 =	sadd.s32 s31, s14;
	s0 =	sshrl.u32 s29, $0x3  }
0x85: {  	s30 =	rddreg [dreg:$0x1a];
	s2 =	sadd.s32 s17, s28;
	s0 =	sadd.s32 s3, s0  }
0x86: {  	[hbm4b:s0+s9] =	stream.strided.scatter [tilespmem:s30], [sflag:$0x3], $0x8000, s10, s9, $0x38;
	[tilespmem:$0x17800] =	vst v63  }
0x87: {  	s29 =	sadd.s32 s11, s14;
	s0 =	sshrl.u32 s2, $0x3  }
0x88: {  	s8 =	rddreg [dreg:$0x1b];
	s16 =	sadd.s32 s17, s29;
	s0 =	sadd.s32 s3, s0  }
0x89: {  	[hbm4b:s0+s9] =	stream.strided.scatter [tilespmem:s8], [sflag:$0x3], $0x8000, s10, s9, $0x38;
	[tilespmem:$0x17800] =	vst v63  }
0x8a: {  	s31 =	rddreg [dreg:$0xb];
	s0 =	sshrl.u32 s16, $0x3  }
0x8b: {  	s30 =	rddreg [dreg:$0x1c];
	s0 =	sadd.s32 s3, s0  }
0x8c: {  	[hbm4b:s0+s9] =	stream.strided.scatter [tilespmem:s30], [sflag:$0x3], $0x8000, s10, s9, $0x38;
	[tilespmem:$0x17800] =	vst v63  }
0x8d: {  	s30 =	sadd.s32 s31, s14  }
0x8e: {  	s8 =	rddreg [dreg:$0xc];
	s2 =	sadd.s32 s17, s30  }
0x8f: {  	s31 =	sadd.s32 s8, s14;
	s0 =	sshrl.u32 s2, $0x3  }
0x90: {  	s11 =	sadd.s32 s17, s31;
	s2 =	rddreg [dreg:$0xd];
	s0 =	sadd.s32 s3, s0  }
0x91: {  	[hbm4b:s0+s9] =	stream.strided.scatter [tilespmem:s10], [sflag:$0x3], $0x8000, s10, s9, $0x38;
	[tilespmem:$0x17800] =	vst v63  }
0x92: {  	s1 =	sadd.s32 s2, s14;
	s0 =	sshrl.u32 s11, $0x3  }
0x93: {  	s16 =	rddreg [dreg:$0x1d];
	s8 =	sadd.s32 s17, s1;
	s0 =	sadd.s32 s3, s0  }
0x94: {  	[hbm4b:s0+s9] =	stream.strided.scatter [tilespmem:s16], [sflag:$0x3], $0x8000, s10, s9, $0x38;
	[tilespmem:$0x17800] =	vst v63  }
0x95: {  	s11 =	rddreg [dreg:$0x1e];
	s0 =	sshrl.u32 s8, $0x3  }
0x96: {  	s16 =	rddreg [dreg:$0xe];
	s0 =	sadd.s32 s3, s0  }
0x97: {  	[hbm4b:s0+s9] =	stream.strided.scatter [tilespmem:s11], [sflag:$0x3], $0x8000, s10, s9, $0x38;
	[tilespmem:$0x17800] =	vst v63  }
0x98: {  	s0 =	sadd.s32 s16, s14  }
0x99: {  	s2 =	sadd.s32 s17, s0  }
0x9a: {  	s11 =	rddreg [dreg:$0x1f];
	s8 =	sshrl.u32 s2, $0x3  }
0x9b: {  	s2 =	rddreg [dreg:$0xf];
	s8 =	sadd.s32 s3, s8  }
0x9c: {  	[hbm4b:s8+s9] =	stream.strided.scatter [tilespmem:s11], [sflag:$0x3], $0x8000, s10, s9, $0x38;
	[tilespmem:$0x17800] =	vst v63  }
0x9d: {  	s8 =	sadd.s32 s2, s14  }
0x9e: {  	s16 =	sld [smem:$0x7ED];
	s2 =	sadd.s32 s17, s8  }
0x9f: {  	s2 =	sshrl.u32 s2, $0x3  }
0xa0: {  	s11 =	smov.u32 s4;
	s4 =	rddreg [dreg:$0x10];
	s2 =	sadd.s32 s3, s2  }
0xa1: {  	[hbm4b:s2+s9] =	stream.strided.scatter [tilespmem:s16], [sflag:$0x3], $0x8000, s10, s9, $0x38;
	[tilespmem:$0x17800] =	vst v63  }
0xa2: {  	s16 =	sadd.s32 s4, s14  }
0xa3: {  	s4 =	sadd.s32 s17, s16  }
0xa4: {  	s2 =	sshrl.u32 s4, $0x3;
	s4 =	rddreg [dreg:$0x11]  }
0xa5: {  	s2 =	sadd.s32 s3, s2;
	s14 =	sadd.s32 s4, s14  }
0xa6: {  	[hbm4b:s2+s9] =	stream.strided.scatter [tilespmem:s9], [sflag:$0x3], $0x8000, s10, s9, $0x38;
	[tilespmem:$0x17800] =	vst v63  }
0xa7: {  	s17 =	sadd.s32 s17, s14  }
0xa8: {  	s2 =	sshrl.u32 s17, $0x3  }
0xa9: {  	s4 =	simm.s32 @!p0 $0x4;
	s2 =	sadd.s32 s3, s2  }
0xaa: {  	[hbm4b:s2+s9] =	stream.strided.scatter [tilespmem:s5], [sflag:$0x3], $0x8000, s10, s9, $0x38;
	[tilespmem:$0x17800] =	vst v63  }
0xab: {  	s2 =	rddreg [dreg:$0x12];
	_ =	swait.ge @!p0 [sflag:s4], $0x8000  }
0xac: {  	[sflag:s4] =	ssyncset.done @!p0 $0x0  }
0xad: {  	[sflag:s4] =	ssyncadd.s32 @!p0 $0xFFFF8000  }
0xae: {  	_ =	swait.ge @!p0 [sflag:s4], $0x8000  }
0xaf: {  	[sflag:s4] =	ssyncset.done @!p0 $0x0  }
0xb0: {  	[sflag:s4] =	ssyncadd.s32 @!p0 $0xFFFF8000  }
0xb1: {  	_ =	swait.ge @!p0 [sflag:s4], $0x8000  }
0xb2: {  	[sflag:s4] =	ssyncset.done @!p0 $0x0  }
0xb3: {  	[sflag:s4] =	ssyncadd.s32 @!p0 $0xFFFF8000  }
0xb4: {  	_ =	swait.ge @!p0 [sflag:s4], $0x8000  }
0xb5: {  	[sflag:s4] =	ssyncset.done @!p0 $0x0  }
0xb6: {  	[sflag:s4] =	ssyncadd.s32 @!p0 $0xFFFF8000  }
0xb7: {  	_ =	swait.ge @!p0 [sflag:s4], $0x8000  }
0xb8: {  	[sflag:s4] =	ssyncset.done @!p0 $0x0  }
0xb9: {  	[sflag:s4] =	ssyncadd.s32 @!p0 $0xFFFF8000  }
0xba: {  	_ =	swait.ge @!p0 [sflag:s4], $0x8000  }
0xbb: {  	[sflag:s4] =	ssyncset.done @!p0 $0x0  }
0xbc: {  	[sflag:s4] =	ssyncadd.s32 @!p0 $0xFFFF8000  }
0xbd: {  	_ =	swait.ge @!p0 [sflag:s4], $0x8000  }
0xbe: {  	[sflag:s4] =	ssyncset.done @!p0 $0x0  }
0xbf: {  	[sflag:s4] =	ssyncadd.s32 @!p0 $0xFFFF8000  }
0xc0: {  	_ =	swait.ge @!p0 [sflag:s4], $0x8000  }
0xc1: {  	[sflag:s4] =	ssyncset.done @!p0 $0x0  }
0xc2: {  	[sflag:s4] =	ssyncadd.s32 @!p0 $0xFFFF8000  }
0xc3: {  	_ =	swait.ge @!p0 [sflag:s4], $0x8000  }
0xc4: {  	[sflag:s4] =	ssyncset.done @!p0 $0x0  }
0xc5: {  	[sflag:s4] =	ssyncadd.s32 @!p0 $0xFFFF8000  }
0xc6: {  	_ =	swait.ge @!p0 [sflag:s4], $0x8000  }
0xc7: {  	[sflag:s4] =	ssyncset.done @!p0 $0x0  }
0xc8: {  	[sflag:s4] =	ssyncadd.s32 @!p0 $0xFFFF8000  }
0xc9: {  	_ =	swait.ge @!p0 [sflag:s4], $0x8000  }
0xca: {  	[sflag:s4] =	ssyncset.done @!p0 $0x0  }
0xcb: {  	[sflag:s4] =	ssyncadd.s32 @!p0 $0xFFFF8000  }
0xcc: {  	_ =	swait.ge @!p0 [sflag:s4], $0x8000  }
0xcd: {  	[sflag:s4] =	ssyncset.done @!p0 $0x0  }
0xce: {  	[sflag:s4] =	ssyncadd.s32 @!p0 $0xFFFF8000  }
0xcf: {  	_ =	swait.ge @!p0 [sflag:s4], $0x8000  }
0xd0: {  	[sflag:s4] =	ssyncset.done @!p0 $0x0  }
0xd1: {  	[sflag:s4] =	ssyncadd.s32 @!p0 $0xFFFF8000  }
0xd2: {  	s17 =	simm.s32 $0x100;
	_ =	swait.ge @!p0 [sflag:s4], $0x8000  }
0xd3: {  	s17 =	simm.s32 @!p1 $0x0;
	s5 =	sadd.s32 $0x6, s18;
	[sflag:s4] =	ssyncset.done @!p0 $0x0  }
0xd4: {  	s2 =	sadd.s32 s17, s2;
	s17 =	smov.u32 s18;
	[sflag:s4] =	ssyncadd.s32 @!p0 $0xFFFF8000  }
0xd5: {  	s17 =	smov.u32 @p2 s5;
	s2 =	sshrl.u32 s2, $0x3;
	_ =	swait.ge @!p0 [sflag:s4], $0x8000  }
0xd6: {  	s17 =	sshll.u32 s17, $0xA;
	s2 =	smul.u32 $0x1800, s2;
	[sflag:s4] =	ssyncset.done @!p0 $0x0  }
0xd7: {  	s5 =	sadd.s32 s7, s17;
	[sflag:s4] =	ssyncadd.s32 @!p0 $0xFFFF8000  }
0xd8: {  	s2 =	sadd.s32 s2, s5;
	_ =	swait.ge @!p0 [sflag:s4], $0x8000  }
0xd9: {  	s2 =	sshrl.u32 s2, $0x3;
	[sflag:s4] =	ssyncset.done @!p0 $0x0  }
0xda: {  	s13 =	simm.s32 $0xBC00;
	s2 =	sadd.s32 s6, s2;
	[sflag:s4] =	ssyncadd.s32 @!p0 $0xFFFF8000  }
0xdb: {  	[tilespmem:s13], [sflag:$0x2] =	stream.strided.gather [hbm4b:s2+s9], $0xBC00, s10, s9, $0x38;
	[tilespmem:$0x17800] =	vst v63  }
0xdc: {  	s13 =	simm.s32 $0x2  }
0xdd: {  	_ =	swait.ge [sflag:s13], $0xBC00  }
0xde: {  	s4 =	sadd.s32 s20, s17;
	s20 =	sld [smem:$0x7EE]  }
0xdf: {  	s2 =	sshrl.u32 s4, $0x3;
	s4 =	sadd.s32 s17, s21;
	[sflag:s13] =	ssyncset.done $0x0  }
0xe0: {  	s2 =	sadd.s32 s3, s2;
	[sflag:s13] =	ssyncadd.s32 $0xFFFF4400;
	s13 =	sld [smem:$0x7EF]  }
0xe1: {  	[hbm4b:s2+s9] =	stream.strided.scatter [tilespmem:s20], [sflag:$0x4], $0x8000, s10, s9, $0x38;
	[tilespmem:$0x17800] =	vst v63  }
0xe2: {  	s2 =	sshrl.u32 s4, $0x3  }
0xe3: {  	s21 =	sld [smem:$0x7F0];
	s20 =	sadd.s32 s17, s22;
	s2 =	sadd.s32 s3, s2  }
0xe4: {  	[hbm4b:s2+s9] =	stream.strided.scatter [tilespmem:s13], [sflag:$0x4], $0x8000, s10, s9, $0x38;
	[tilespmem:$0x17800] =	vst v63  }
0xe5: {  	s2 =	sshrl.u32 s20, $0x3  }
0xe6: {  	s22 =	sadd.s32 s17, s23;
	s23 =	sld [smem:$0x7F1];
	s2 =	sadd.s32 s3, s2  }
0xe7: {  	[hbm4b:s2+s9] =	stream.strided.scatter [tilespmem:s21], [sflag:$0x4], $0x8000, s10, s9, $0x38;
	[tilespmem:$0x17800] =	vst v63  }
0xe8: {  	s2 =	sshrl.u32 s22, $0x3  }
0xe9: {  	s13 =	sadd.s32 s17, s24;
	s20 =	sld [smem:$0x7F2];
	s2 =	sadd.s32 s3, s2  }
0xea: {  	[hbm4b:s2+s9] =	stream.strided.scatter [tilespmem:s23], [sflag:$0x4], $0x8000, s10, s9, $0x38;
	[tilespmem:$0x17800] =	vst v63  }
0xeb: {  	s2 =	sshrl.u32 s13, $0x3  }
0xec: {  	s21 =	sadd.s32 s17, s25;
	s22 =	sld [smem:$0x7F3];
	s2 =	sadd.s32 s3, s2  }
0xed: {  	[hbm4b:s2+s9] =	stream.strided.scatter [tilespmem:s20], [sflag:$0x4], $0x8000, s10, s9, $0x38;
	[tilespmem:$0x17800] =	vst v63  }
0xee: {  	s2 =	sshrl.u32 s21, $0x3  }
0xef: {  	s24 =	sld [smem:$0x7F4];
	s23 =	sadd.s32 s17, s26;
	s2 =	sadd.s32 s3, s2  }
0xf0: {  	[hbm4b:s2+s9] =	stream.strided.scatter [tilespmem:s22], [sflag:$0x4], $0x8000, s10, s9, $0x38;
	[tilespmem:$0x17800] =	vst v63  }
0xf1: {  	s2 =	sshrl.u32 s23, $0x3  }
0xf2: {  	s25 =	sadd.s32 s17, s28;
	s26 =	sld [smem:$0x7F5];
	s2 =	sadd.s32 s3, s2  }
0xf3: {  	[hbm4b:s2+s9] =	stream.strided.scatter [tilespmem:s24], [sflag:$0x4], $0x8000, s10, s9, $0x38;
	[tilespmem:$0x17800] =	vst v63  }
0xf4: {  	s2 =	sshrl.u32 s25, $0x3  }
0xf5: {  	s28 =	sadd.s32 s17, s29;
	s29 =	sld [smem:$0x7F6];
	s2 =	sadd.s32 s3, s2  }
0xf6: {  	[hbm4b:s2+s9] =	stream.strided.scatter [tilespmem:s26], [sflag:$0x4], $0x8000, s10, s9, $0x38;
	[tilespmem:$0x17800] =	vst v63  }
0xf7: {  	s2 =	sshrl.u32 s28, $0x3  }
0xf8: {  	s13 =	sadd.s32 s17, s30;
	s20 =	sld [smem:$0x7F7];
	s2 =	sadd.s32 s3, s2  }
0xf9: {  	[hbm4b:s2+s9] =	stream.strided.scatter [tilespmem:s29], [sflag:$0x4], $0x8000, s10, s9, $0x38;
	[tilespmem:$0x17800] =	vst v63  }
0xfa: {  	s2 =	sshrl.u32 s13, $0x3  }
0xfb: {  	s21 =	sadd.s32 s17, s31;
	s22 =	sld [smem:$0x7F9];
	s2 =	sadd.s32 s3, s2  }
0xfc: {  	[hbm4b:s2+s9] =	stream.strided.scatter [tilespmem:s20], [sflag:$0x4], $0x8000, s10, s9, $0x38;
	[tilespmem:$0x17800] =	vst v63  }
0xfd: {  	s1 =	sadd.s32 s17, s1;
	s0 =	sadd.s32 s17, s0;
	s2 =	sshrl.u32 s21, $0x3  }
0xfe: {  	s1 =	sshrl.u32 s1, $0x3;
	s23 =	sld [smem:$0x7FA];
	s2 =	sadd.s32 s3, s2  }
0xff: {  	[hbm4b:s2+s9] =	stream.strided.scatter [tilespmem:s22], [sflag:$0x4], $0x8000, s10, s9, $0x38;
	[tilespmem:$0x17800] =	vst v63  }
0x100: {  	s0 =	sshrl.u32 s0, $0x3;
	s1 =	sadd.s32 s3, s1;
	s24 =	sld [smem:$0x7FB]  }
0x101: {  	[hbm4b:s1+s9] =	stream.strided.scatter [tilespmem:s23], [sflag:$0x4], $0x8000, s10, s9, $0x38;
	[tilespmem:$0x17800] =	vst v63  }
0x102: {  	s0 =	sadd.s32 s3, s0;
	s25 =	sadd.s32 s17, s8;
	s26 =	sld [smem:$0x7FC]  }
0x103: {  	[hbm4b:s0+s9] =	stream.strided.scatter [tilespmem:s24], [sflag:$0x4], $0x8000, s10, s9, $0x38;
	[tilespmem:$0x17800] =	vst v63  }
0x104: {  	s15 =	sadd.s32 $0x800, s15;
	s19 =	sadd.s32 $0x1, s19;
	s0 =	sshrl.u32 s25, $0x3  }
0x105: {  	s28 =	sadd.s32 s17, s16;
	s29 =	sld [smem:$0x7FD];
	s0 =	sadd.s32 s3, s0  }
0x106: {  	[hbm4b:s0+s9] =	stream.strided.scatter [tilespmem:s26], [sflag:$0x4], $0x8000, s10, s9, $0x38;
	[tilespmem:$0x17800] =	vst v63  }
0x107: {  	s18 =	sadd.s32 $0x2, s18;
	p0 =	sne.s32 s15, $0x1800;
	s0 =	sshrl.u32 s28, $0x3  }
.Ltmp0:
0x108: {  	s31 =	sadd.s32 s17, s14;
	s0 =	sadd.s32 s3, s0;
	(pc) =	sbr.rel @p0 .LBB2_2-.Ltmp0, $4  }
0x109: {  	[hbm4b:s0+s9] =	stream.strided.scatter [tilespmem:s29], [sflag:$0x4], $0x8000, s10, s9, $0x38;
	[tilespmem:$0x17800] =	vst v63  }
0x10a: {  	s5 =	simm.s32 $0x0;
	s4 =	smov.u32 s11;
	s0 =	sshrl.u32 s31, $0x3  }
0x10b: {  	s11 =	simm.s32 $0x1;
	s30 =	simm.s32 $0xBC00;
	s0 =	sadd.s32 s3, s0  }
0x10c: {  	[hbm4b:s0+s9] =	stream.strided.scatter [tilespmem:s30], [sflag:$0x4], $0x8000, s10, s9, $0x38;
	[tilespmem:$0x17800] =	vst v63  }
0x10d: {  	s0 =	simm.s32 $0x3  }
0x10e: {  	_ =	swait.ge [sflag:s0], $0x8000  }
0x10f: {  	[sflag:s0] =	ssyncset.done $0x0  }
0x110: {  	[sflag:s0] =	ssyncadd.s32 $0xFFFF8000  }
0x111: {  	_ =	swait.ge [sflag:s0], $0x8000  }
0x112: {  	[sflag:s0] =	ssyncset.done $0x0  }
0x113: {  	[sflag:s0] =	ssyncadd.s32 $0xFFFF8000  }
0x114: {  	_ =	swait.ge [sflag:s0], $0x8000  }
0x115: {  	[sflag:s0] =	ssyncset.done $0x0  }
0x116: {  	[sflag:s0] =	ssyncadd.s32 $0xFFFF8000  }
0x117: {  	_ =	swait.ge [sflag:s0], $0x8000  }
0x118: {  	[sflag:s0] =	ssyncset.done $0x0  }
0x119: {  	[sflag:s0] =	ssyncadd.s32 $0xFFFF8000  }
0x11a: {  	_ =	swait.ge [sflag:s0], $0x8000  }
0x11b: {  	[sflag:s0] =	ssyncset.done $0x0  }
0x11c: {  	[sflag:s0] =	ssyncadd.s32 $0xFFFF8000  }
0x11d: {  	_ =	swait.ge [sflag:s0], $0x8000  }
0x11e: {  	[sflag:s0] =	ssyncset.done $0x0  }
0x11f: {  	[sflag:s0] =	ssyncadd.s32 $0xFFFF8000  }
0x120: {  	_ =	swait.ge [sflag:s0], $0x8000  }
0x121: {  	[sflag:s0] =	ssyncset.done $0x0  }
0x122: {  	[sflag:s0] =	ssyncadd.s32 $0xFFFF8000  }
0x123: {  	_ =	swait.ge [sflag:s0], $0x8000  }
0x124: {  	[sflag:s0] =	ssyncset.done $0x0  }
0x125: {  	[sflag:s0] =	ssyncadd.s32 $0xFFFF8000  }
0x126: {  	_ =	swait.ge [sflag:s0], $0x8000  }
0x127: {  	[sflag:s0] =	ssyncset.done $0x0  }
0x128: {  	[sflag:s0] =	ssyncadd.s32 $0xFFFF8000  }
0x129: {  	_ =	swait.ge [sflag:s0], $0x8000  }
0x12a: {  	[sflag:s0] =	ssyncset.done $0x0  }
0x12b: {  	[sflag:s0] =	ssyncadd.s32 $0xFFFF8000  }
0x12c: {  	_ =	swait.ge [sflag:s0], $0x8000  }
0x12d: {  	[sflag:s0] =	ssyncset.done $0x0  }
0x12e: {  	[sflag:s0] =	ssyncadd.s32 $0xFFFF8000  }
0x12f: {  	_ =	swait.ge [sflag:s0], $0x8000  }
0x130: {  	[sflag:s0] =	ssyncset.done $0x0  }
0x131: {  	[sflag:s0] =	ssyncadd.s32 $0xFFFF8000  }
0x132: {  	_ =	swait.ge [sflag:s0], $0x8000  }
0x133: {  	[sflag:s0] =	ssyncset.done $0x0  }
0x134: {  	[sflag:s0] =	ssyncadd.s32 $0xFFFF8000  }
0x135: {  	_ =	swait.ge [sflag:s0], $0x8000  }
0x136: {  	[sflag:s0] =	ssyncset.done $0x0  }
0x137: {  	[sflag:s0] =	ssyncadd.s32 $0xFFFF8000  }
0x138: {  	_ =	swait.ge [sflag:s0], $0x8000  }
0x139: {  	[sflag:s0] =	ssyncset.done $0x0  }
0x13a: {  	[sflag:s0] =	ssyncadd.s32 $0xFFFF8000  }
0x13b: {  	_ =	swait.ge [sflag:s0], $0x8000  }
0x13c: {  	[sflag:s0] =	ssyncset.done $0x0  }
0x13d: {  	s1 =	simm.s32 $0x4;
	[sflag:s0] =	ssyncadd.s32 $0xFFFF8000  }
0x13e: {  	_ =	swait.ge [sflag:s1], $0x8000  }
0x13f: {  	[sflag:s1] =	ssyncset.done $0x0  }
0x140: {  	[sflag:s1] =	ssyncadd.s32 $0xFFFF8000  }
0x141: {  	_ =	swait.ge [sflag:s1], $0x8000  }
0x142: {  	[sflag:s1] =	ssyncset.done $0x0  }
0x143: {  	[sflag:s1] =	ssyncadd.s32 $0xFFFF8000  }
0x144: {  	_ =	swait.ge [sflag:s1], $0x8000  }
0x145: {  	[sflag:s1] =	ssyncset.done $0x0  }
0x146: {  	[sflag:s1] =	ssyncadd.s32 $0xFFFF8000  }
0x147: {  	_ =	swait.ge [sflag:s1], $0x8000  }
0x148: {  	[sflag:s1] =	ssyncset.done $0x0  }
0x149: {  	[sflag:s1] =	ssyncadd.s32 $0xFFFF8000  }
0x14a: {  	_ =	swait.ge [sflag:s1], $0x8000  }
0x14b: {  	[sflag:s1] =	ssyncset.done $0x0  }
0x14c: {  	[sflag:s1] =	ssyncadd.s32 $0xFFFF8000  }
0x14d: {  	_ =	swait.ge [sflag:s1], $0x8000  }
0x14e: {  	[sflag:s1] =	ssyncset.done $0x0  }
0x14f: {  	[sflag:s1] =	ssyncadd.s32 $0xFFFF8000  }
0x150: {  	_ =	swait.ge [sflag:s1], $0x8000  }
0x151: {  	[sflag:s1] =	ssyncset.done $0x0  }
0x152: {  	[sflag:s1] =	ssyncadd.s32 $0xFFFF8000  }
0x153: {  	_ =	swait.ge [sflag:s1], $0x8000  }
0x154: {  	[sflag:s1] =	ssyncset.done $0x0  }
0x155: {  	[sflag:s1] =	ssyncadd.s32 $0xFFFF8000  }
0x156: {  	_ =	swait.ge [sflag:s1], $0x8000  }
0x157: {  	[sflag:s1] =	ssyncset.done $0x0  }
0x158: {  	[sflag:s1] =	ssyncadd.s32 $0xFFFF8000  }
0x159: {  	_ =	swait.ge [sflag:s1], $0x8000  }
0x15a: {  	[sflag:s1] =	ssyncset.done $0x0  }
0x15b: {  	[sflag:s1] =	ssyncadd.s32 $0xFFFF8000  }
0x15c: {  	_ =	swait.ge [sflag:s1], $0x8000  }
0x15d: {  	[sflag:s1] =	ssyncset.done $0x0  }
0x15e: {  	[sflag:s1] =	ssyncadd.s32 $0xFFFF8000  }
0x15f: {  	_ =	swait.ge [sflag:s1], $0x8000  }
0x160: {  	[sflag:s1] =	ssyncset.done $0x0  }
0x161: {  	[sflag:s1] =	ssyncadd.s32 $0xFFFF8000  }
0x162: {  	_ =	swait.ge [sflag:s1], $0x8000  }
0x163: {  	[sflag:s1] =	ssyncset.done $0x0  }
0x164: {  	[sflag:s1] =	ssyncadd.s32 $0xFFFF8000  }
0x165: {  	_ =	swait.ge [sflag:s1], $0x8000  }
0x166: {  	[sflag:s1] =	ssyncset.done $0x0  }
0x167: {  	[sflag:s1] =	ssyncadd.s32 $0xFFFF8000  }
0x168: {  	_ =	swait.ge [sflag:s1], $0x8000  }
0x169: {  	[sflag:s1] =	ssyncset.done $0x0  }
0x16a: {  	[sflag:s1] =	ssyncadd.s32 $0xFFFF8000  }
0x16b: {  	_ =	swait.ge [sflag:s1], $0x8000  }
0x16c: {  	s8 =	sld [smem:$0x7EC]  }
0x16d: {  	s31 =	sld [smem:$0x7F8];
	_ =	sdelay $0x1  }
0x16e: {  	s8 =	sadd.s32 $0x1, s8  }
0x16f: {  	p0 =	sne.s32 s8, s31  }
.Ltmp1:
0x170: {  	_ = 	snop;
	(pc) =	sbr.rel @p0 .LBB2_1-.Ltmp1, $3  }
0x171: {  	_ =	sdelay $0x1  }
0x172: {  	[sflag:s1] =	ssyncset.done $0x0  }
0x173: {  	[sflag:s1] =	ssyncadd.s32 $0xFFFF8000  }
0x174: {  	_ =	sfence.sel $0x180000  }
0x175: {  	[bflag:$0x0] =	sbarrier.arrive $0xFFFF  }
0x176: {  	_ =	strace $0x90000047  }
0x177: {  	s0 =	stileid.u32;
	[bflag:$0x2] =	sbarrier.arrive $0xFFFF  }
0x178: {  	p0 =	sne.s32 s0, $0x0;
	s0 =	rddreg [dreg:$0x2]  }
0x179: {  	s0 =	sadd.s32 @!p0 $0x100000, s0  }
0x17a: {  	[sflag:s0] =	ssyncadd.tile.s32 @!p0 $0x1;
	_ =	shalt  }
.Lfunc_end2:
_tile_overlayer_lowered:
.L_overlay_start_2:
0x17b: {  	(tag) =	ssettag $0x2  }
0x17c: {  	s0 =	rddreg [dreg:$0x0];
	s2 =	stileid.u32  }
0x17d: {  	s1 =	rddreg [dreg:$0x1];
	p0 =	sne.s32 s2, $0x0  }
0x17e: {  	s3 =	rddreg [dreg:$0x2];
	[bflag:$0x3] =	sbarrier.arrive $0xFFFF;
	s2 =	simm.s32 @!p0 $0x1C05  }
0x17f: {  	[timem:s3], [sflag:s2] =	dma.local @!p0 [hbm:s0], s1  }
0x180: {  	s0 =	simm.s32 @!p0 $0x5  }
0x181: {  	_ =	swait.ge @!p0 [sflag:s0], s1  }
0x182: {  	s1 =	ssub.s32 @!p0 $0x0, s1;
	[sflag:s0] =	ssyncset.done @!p0 $0x0  }
0x183: {  	[sflag:s0] =	ssyncadd.s32 @!p0 s1  }
0x184: {  	[bflag:$0x3] =	sbarrier.arrive $0xFFFF  }
0x185: {  	_ =	shalt  }

</sc_bundles>
